<compile_context>
chip_gen: v7x
topology: tpu7x:2x2x1
jax: 0.10.2.dev20260603
libtpu: 0.0.44.dev20260713+nightly
codegen_flags: <defaults>
</compile_context>

<pallas_src>
import functools

import jax
import jax.numpy as jnp
from jax import lax
from jax.experimental import pallas as pl
from jax.experimental.pallas import tpu as pltpu
from jax.experimental.pallas import tpu_sc as plsc

B, S, D = 1024, 200, 128
AUX_V = 1000
N = B * S
NW = 32
C = 40
PER_W = N // NW
NCH = PER_W // C
G = 8
NG = NCH // G
IDX_ROWS = N // C
LANES = 16
VPR = D // LANES


def _sc_body(tok_i, it_i, op_i, rid_i, rr_i, rw_i, ef_i,
             tok_t, a0, a1, a2, a3, a4, a5, pe,
             out,
             bufs, pe_v, idx_v, sem):
    cid = lax.axis_index("c")
    sid = lax.axis_index("s")
    wid = sid * 2 + cid

    tables = (tok_t, a0, a1, a2, a3, a4, a5)
    pltpu.sync_copy(pe, pe_v)

    idx_hbm = (tok_i, it_i, op_i, rid_i, rr_i, rw_i, ef_i)
    base_row = wid * NCH

    def group_body(g, carry):
        for j in range(7):
            pltpu.sync_copy(idx_hbm[j].at[pl.ds(base_row + g * G, G)],
                            idx_v.at[j])

        def chunk_body(cc, carry2):
            c = g * G + cc
            handles = []
            for j in range(7):
                handles.append(pltpu.async_copy(
                    tables[j].at[idx_v.at[j, cc]], bufs.at[j], sem))
            for h in handles:
                h.wait()

            pe_base = lax.rem(c * C, 200)

            def row_body(r, carry3):
                for v in range(VPR):
                    sl = pl.ds(v * LANES, LANES)
                    acc = bufs[0, r, sl]
                    for j in range(1, 7):
                        acc = acc + bufs[j, r, sl]
                    acc = acc + pe_v[pe_base + r, sl]
                    bufs[0, r, sl] = acc
                return carry3

            lax.fori_loop(0, C, row_body, 0, unroll=2)
            pltpu.sync_copy(bufs.at[0],
                            out.at[pl.ds((wid * NCH + c) * C, C)])
            return carry2

        lax.fori_loop(0, G, chunk_body, 0)
        return carry

    lax.fori_loop(0, NG, group_body, 0)


def kernel(token_seq, itype_seq, opnd_type_seq, reg_id_seq, reg_r_seq,
           reg_w_seq, eflags_seq, token_table, itype_table, opnd_type_table,
           reg_id_table, reg_r_table, reg_w_table, eflags_table, pe):
    idx2d = [a.reshape(IDX_ROWS, C) for a in
             (token_seq, itype_seq, opnd_type_seq, reg_id_seq, reg_r_seq,
              reg_w_seq, eflags_seq)]
    pe_t = pe[:S]

    mesh = plsc.VectorSubcoreMesh(core_axis_name="c", subcore_axis_name="s")
    run = functools.partial(
        pl.kernel,
        out_type=jax.ShapeDtypeStruct((N, D), jnp.float32),
        mesh=mesh,
        scratch_types=[
            pltpu.VMEM((7, C, D), jnp.float32),
            pltpu.VMEM((S, D), jnp.float32),
            pltpu.VMEM((7, G, C), jnp.int32),
            pltpu.SemaphoreType.DMA,
        ],
    )(_sc_body)

    out = run(*idx2d, token_table, itype_table, opnd_type_table,
              reg_id_table, reg_r_table, reg_w_table, eflags_table, pe_t)
    return out.reshape(B, S, D)

# --- scband reference (transcript-rebuilt; emitter-appended) ---
"""Pipeline reference for scband-bertembedding-37709812858951 (READ-ONLY COPY).

The authoritative reference and input builder live on the scoring server;
editing this copy changes nothing except your own understanding.
"""

import jax, jax.numpy as jnp
import numpy as np
import math

B, S, D = 1024, 200, 128
TOKEN_V = 100000
AUX_V = 1000
MAX_LEN = 512


def make_pe(max_len, d_model):
    position = np.arange(0, max_len, dtype=np.float32)[:, None]
    div_term = np.exp(np.arange(0, d_model, 2, dtype=np.float32) * -(math.log(10000.0) / d_model))
    pe = np.zeros((max_len, d_model), dtype=np.float32)
    pe[:, 0::2] = np.sin(position * div_term)
    pe[:, 1::2] = np.cos(position * div_term)
    return jnp.asarray(pe)


def _table(k, n, d):
    t = jax.random.normal(k, (n, d), dtype=jnp.float32)
    return t.at[0].set(0.0)  # padding_idx=0 row is zero


def setup_inputs(seed: int = 0):
    key = jax.random.key(seed)
    ks = jax.random.split(key, 14)
    inp = {}
    inp['token_seq'] = jax.random.randint(ks[0], (B, S), 0, TOKEN_V, dtype=jnp.int32)
    inp['itype_seq'] = jax.random.randint(ks[1], (B, S), 0, AUX_V, dtype=jnp.int32)
    inp['opnd_type_seq'] = jax.random.randint(ks[2], (B, S), 0, AUX_V, dtype=jnp.int32)
    inp['reg_id_seq'] = jax.random.randint(ks[3], (B, S), 0, AUX_V, dtype=jnp.int32)
    inp['reg_r_seq'] = jax.random.randint(ks[4], (B, S), 0, AUX_V, dtype=jnp.int32)
    inp['reg_w_seq'] = jax.random.randint(ks[5], (B, S), 0, AUX_V, dtype=jnp.int32)
    inp['eflags_seq'] = jax.random.randint(ks[6], (B, S), 0, AUX_V, dtype=jnp.int32)
    inp['token_table'] = _table(ks[7], TOKEN_V, D)
    inp['itype_table'] = _table(ks[8], AUX_V, D)
    inp['opnd_type_table'] = _table(ks[9], AUX_V, D)
    inp['reg_id_table'] = _table(ks[10], AUX_V, D)
    inp['reg_r_table'] = _table(ks[11], AUX_V, D)
    inp['reg_w_table'] = _table(ks[12], AUX_V, D)
    inp['eflags_table'] = _table(ks[13], AUX_V, D)
    inp['pe'] = make_pe(MAX_LEN, D)
    return inp


def reference(token_seq, itype_seq, opnd_type_seq, reg_id_seq, reg_r_seq, reg_w_seq, eflags_seq,
              token_table, itype_table, opnd_type_table, reg_id_table, reg_r_table, reg_w_table,
              eflags_table, pe):
    seq_len = token_seq.shape[1]
    x = jnp.take(token_table, token_seq, axis=0) + pe[None, :seq_len, :]
    x = x + jnp.take(itype_table, itype_seq, axis=0)
    x = x + jnp.take(opnd_type_table, opnd_type_seq, axis=0)
    x = x + jnp.take(reg_id_table, reg_id_seq, axis=0)
    x = x + jnp.take(reg_r_table, reg_r_seq, axis=0)
    x = x + jnp.take(reg_w_table, reg_w_seq, axis=0)
    x = x + jnp.take(eflags_table, eflags_seq, axis=0)
    # dropout in eval mode is identity
    return x

if __name__ == "__main__":
    import jax
    _d = setup_inputs()
    print(jax.jit(kernel)(*tuple(_d.values())))

</pallas_src>

<mosaic_0001>
#map = affine_map<(d0, d1) -> (0, 0)>
module attributes {stable_mosaic.version = 14 : i64} {
  func.func @_sc_body(%arg0: i32, %arg1: i32, %arg2: memref<5120x40xi32, #tpu.memory_space<hbm>>, %arg3: memref<5120x40xi32, #tpu.memory_space<hbm>>, %arg4: memref<5120x40xi32, #tpu.memory_space<hbm>>, %arg5: memref<5120x40xi32, #tpu.memory_space<hbm>>, %arg6: memref<5120x40xi32, #tpu.memory_space<hbm>>, %arg7: memref<5120x40xi32, #tpu.memory_space<hbm>>, %arg8: memref<5120x40xi32, #tpu.memory_space<hbm>>, %arg9: memref<100000x128xf32, #tpu.memory_space<hbm>>, %arg10: memref<1000x128xf32, #tpu.memory_space<hbm>>, %arg11: memref<1000x128xf32, #tpu.memory_space<hbm>>, %arg12: memref<1000x128xf32, #tpu.memory_space<hbm>>, %arg13: memref<1000x128xf32, #tpu.memory_space<hbm>>, %arg14: memref<1000x128xf32, #tpu.memory_space<hbm>>, %arg15: memref<1000x128xf32, #tpu.memory_space<hbm>>, %arg16: memref<200x128xf32, #tpu.memory_space<hbm>>, %arg17: memref<204800x128xf32, #tpu.memory_space<hbm>>, %arg18: memref<7x40x128xf32, #tpu.memory_space<vmem>>, %arg19: memref<200x128xf32, #tpu.memory_space<vmem>>, %arg20: memref<7x8x40xi32, #tpu.memory_space<vmem>>, %arg21: memref<!tpu.dma_semaphore, #tpu.memory_space<semaphore_mem>>) attributes {dimension_semantics = [#tpu.dimension_semantics<core_parallel>, #tpu.dimension_semantics<subcore_parallel>], iteration_bounds = array<i64: 2, 16>, scalar_prefetch = 0 : i64, scratch_operands = 4 : i64, tpu.core_type = #tpu.core_type<sc_vector_subcore>, window_params = [{transform_indices = #map}, {transform_indices = #map}, {transform_indices = #map}, {transform_indices = #map}, {transform_indices = #map}, {transform_indices = #map}, {transform_indices = #map}, {transform_indices = #map}, {transform_indices = #map}, {transform_indices = #map}, {transform_indices = #map}, {transform_indices = #map}, {transform_indices = #map}, {transform_indices = #map}, {transform_indices = #map}, {transform_indices = #map}]} {
    %mul3A = arith.constant 2 : i32
    %mul3A_0 = arith.muli %arg1, %mul3A : i32
    %add3A = arith.addi %mul3A_0, %arg0 : i32
    "tpu.region"() ({
      %run_scoped3A = tpu.sem_alloc : memref<!tpu.dma_semaphore, #tpu.memory_space<semaphore_mem>>
      tpu.enqueue_dma source(%arg16 : memref<200x128xf32, #tpu.memory_space<hbm>>) target(%arg19 : memref<200x128xf32, #tpu.memory_space<vmem>>) target_semaphore(%run_scoped3A : memref<!tpu.dma_semaphore, #tpu.memory_space<semaphore_mem>>)
      tpu.wait_dma2 semaphore(%run_scoped3A : memref<!tpu.dma_semaphore, #tpu.memory_space<semaphore_mem>>) src(%arg16 : memref<200x128xf32, #tpu.memory_space<hbm>>) dst(%arg19 : memref<200x128xf32, #tpu.memory_space<vmem>>)
      tpu.yield
    }) : () -> ()
    %mul3A_1 = arith.constant 160 : i32
    %mul3A_2 = arith.muli %add3A, %mul3A_1 : i32
    %scan3A = arith.constant 0 : i32
    %scan3A_3 = arith.constant 0 : i32
    %scan3A_4 = arith.constant 20 : i32
    %scan3A_5 = arith.addi %scan3A_3, %scan3A_4 : i32
    %scan3A_6 = arith.constant 1 : i32
    scf.for %scan3A_8 = %scan3A_3 to %scan3A_5 step %scan3A_6  : i32 {
      %mul3A_9 = arith.constant 8 : i32
      %mul3A_10 = arith.muli %scan3A_8, %mul3A_9 : i32
      %add3A_11 = arith.addi %mul3A_2, %mul3A_10 : i32
      %run_scoped3A = arith.constant 0 : i32
      "tpu.region"() ({
        %run_scoped3A_42 = tpu.sem_alloc : memref<!tpu.dma_semaphore, #tpu.memory_space<semaphore_mem>>
        %dma_start3A = arith.constant 0 : i32
        %dma_start3A_43 = arith.constant 0 : i32
        %dma_start3A_44 = tpu.memref_slice %arg20[%run_scoped3A, %dma_start3A, %dma_start3A_43] : memref<7x8x40xi32, #tpu.memory_space<vmem>> -> memref<1x8x40xi32, #tpu.memory_space<vmem>>
        %dma_start3A_45 = tpu.memref_squeeze %dma_start3A_44 : memref<1x8x40xi32, #tpu.memory_space<vmem>> -> memref<8x40xi32, #tpu.memory_space<vmem>>
        %dma_start3A_46 = arith.constant 0 : i32
        %dma_start3A_47 = tpu.memref_slice %arg2[%add3A_11, %dma_start3A_46] : memref<5120x40xi32, #tpu.memory_space<hbm>> -> memref<8x40xi32, #tpu.memory_space<hbm>>
        %dma_start3A_48 = arith.constant 0 : i32
        %dma_start3A_49 = arith.constant 0 : i32
        %dma_start3A_50 = tpu.memref_slice %arg20[%run_scoped3A, %dma_start3A_48, %dma_start3A_49] : memref<7x8x40xi32, #tpu.memory_space<vmem>> -> memref<1x8x40xi32, #tpu.memory_space<vmem>>
        %dma_start3A_51 = tpu.memref_squeeze %dma_start3A_50 : memref<1x8x40xi32, #tpu.memory_space<vmem>> -> memref<8x40xi32, #tpu.memory_space<vmem>>
        %dma_start3A_52 = arith.constant 0 : i32
        %dma_start3A_53 = tpu.memref_slice %arg2[%add3A_11, %dma_start3A_52] : memref<5120x40xi32, #tpu.memory_space<hbm>> -> memref<8x40xi32, #tpu.memory_space<hbm>>
        tpu.enqueue_dma source(%dma_start3A_53 : memref<8x40xi32, #tpu.memory_space<hbm>>) target(%dma_start3A_51 : memref<8x40xi32, #tpu.memory_space<vmem>>) target_semaphore(%run_scoped3A_42 : memref<!tpu.dma_semaphore, #tpu.memory_space<semaphore_mem>>)
        %dma_wait3A = arith.constant 0 : i32
        %dma_wait3A_54 = arith.constant 0 : i32
        %dma_wait3A_55 = tpu.memref_slice %arg20[%run_scoped3A, %dma_wait3A, %dma_wait3A_54] : memref<7x8x40xi32, #tpu.memory_space<vmem>> -> memref<1x8x40xi32, #tpu.memory_space<vmem>>
        %dma_wait3A_56 = tpu.memref_squeeze %dma_wait3A_55 : memref<1x8x40xi32, #tpu.memory_space<vmem>> -> memref<8x40xi32, #tpu.memory_space<vmem>>
        %dma_wait3A_57 = arith.constant 0 : i32
        %dma_wait3A_58 = tpu.memref_slice %arg2[%add3A_11, %dma_wait3A_57] : memref<5120x40xi32, #tpu.memory_space<hbm>> -> memref<8x40xi32, #tpu.memory_space<hbm>>
        %dma_wait3A_59 = arith.constant 0 : i32
        %dma_wait3A_60 = arith.constant 0 : i32
        %dma_wait3A_61 = tpu.memref_slice %arg20[%run_scoped3A, %dma_wait3A_59, %dma_wait3A_60] : memref<7x8x40xi32, #tpu.memory_space<vmem>> -> memref<1x8x40xi32, #tpu.memory_space<vmem>>
        %dma_wait3A_62 = tpu.memref_squeeze %dma_wait3A_61 : memref<1x8x40xi32, #tpu.memory_space<vmem>> -> memref<8x40xi32, #tpu.memory_space<vmem>>
        %dma_wait3A_63 = arith.constant 0 : i32
        %dma_wait3A_64 = tpu.memref_slice %arg2[%add3A_11, %dma_wait3A_63] : memref<5120x40xi32, #tpu.memory_space<hbm>> -> memref<8x40xi32, #tpu.memory_space<hbm>>
        tpu.wait_dma2 semaphore(%run_scoped3A_42 : memref<!tpu.dma_semaphore, #tpu.memory_space<semaphore_mem>>) src(%dma_wait3A_64 : memref<8x40xi32, #tpu.memory_space<hbm>>) dst(%dma_wait3A_62 : memref<8x40xi32, #tpu.memory_space<vmem>>)
        tpu.yield
      }) : () -> ()
      %mul3A_12 = arith.constant 8 : i32
      %mul3A_13 = arith.muli %scan3A_8, %mul3A_12 : i32
      %add3A_14 = arith.addi %mul3A_2, %mul3A_13 : i32
      %run_scoped3A_15 = arith.constant 1 : i32
      "tpu.region"() ({
        %run_scoped3A_42 = tpu.sem_alloc : memref<!tpu.dma_semaphore, #tpu.memory_space<semaphore_mem>>
        %dma_start3A = arith.constant 0 : i32
        %dma_start3A_43 = arith.constant 0 : i32
        %dma_start3A_44 = tpu.memref_slice %arg20[%run_scoped3A_15, %dma_start3A, %dma_start3A_43] : memref<7x8x40xi32, #tpu.memory_space<vmem>> -> memref<1x8x40xi32, #tpu.memory_space<vmem>>
        %dma_start3A_45 = tpu.memref_squeeze %dma_start3A_44 : memref<1x8x40xi32, #tpu.memory_space<vmem>> -> memref<8x40xi32, #tpu.memory_space<vmem>>
        %dma_start3A_46 = arith.constant 0 : i32
        %dma_start3A_47 = tpu.memref_slice %arg3[%add3A_14, %dma_start3A_46] : memref<5120x40xi32, #tpu.memory_space<hbm>> -> memref<8x40xi32, #tpu.memory_space<hbm>>
        %dma_start3A_48 = arith.constant 0 : i32
        %dma_start3A_49 = arith.constant 0 : i32
        %dma_start3A_50 = tpu.memref_slice %arg20[%run_scoped3A_15, %dma_start3A_48, %dma_start3A_49] : memref<7x8x40xi32, #tpu.memory_space<vmem>> -> memref<1x8x40xi32, #tpu.memory_space<vmem>>
        %dma_start3A_51 = tpu.memref_squeeze %dma_start3A_50 : memref<1x8x40xi32, #tpu.memory_space<vmem>> -> memref<8x40xi32, #tpu.memory_space<vmem>>
        %dma_start3A_52 = arith.constant 0 : i32
        %dma_start3A_53 = tpu.memref_slice %arg3[%add3A_14, %dma_start3A_52] : memref<5120x40xi32, #tpu.memory_space<hbm>> -> memref<8x40xi32, #tpu.memory_space<hbm>>
        tpu.enqueue_dma source(%dma_start3A_53 : memref<8x40xi32, #tpu.memory_space<hbm>>) target(%dma_start3A_51 : memref<8x40xi32, #tpu.memory_space<vmem>>) target_semaphore(%run_scoped3A_42 : memref<!tpu.dma_semaphore, #tpu.memory_space<semaphore_mem>>)
        %dma_wait3A = arith.constant 0 : i32
        %dma_wait3A_54 = arith.constant 0 : i32
        %dma_wait3A_55 = tpu.memref_slice %arg20[%run_scoped3A_15, %dma_wait3A, %dma_wait3A_54] : memref<7x8x40xi32, #tpu.memory_space<vmem>> -> memref<1x8x40xi32, #tpu.memory_space<vmem>>
        %dma_wait3A_56 = tpu.memref_squeeze %dma_wait3A_55 : memref<1x8x40xi32, #tpu.memory_space<vmem>> -> memref<8x40xi32, #tpu.memory_space<vmem>>
        %dma_wait3A_57 = arith.constant 0 : i32
        %dma_wait3A_58 = tpu.memref_slice %arg3[%add3A_14, %dma_wait3A_57] : memref<5120x40xi32, #tpu.memory_space<hbm>> -> memref<8x40xi32, #tpu.memory_space<hbm>>
        %dma_wait3A_59 = arith.constant 0 : i32
        %dma_wait3A_60 = arith.constant 0 : i32
        %dma_wait3A_61 = tpu.memref_slice %arg20[%run_scoped3A_15, %dma_wait3A_59, %dma_wait3A_60] : memref<7x8x40xi32, #tpu.memory_space<vmem>> -> memref<1x8x40xi32, #tpu.memory_space<vmem>>
        %dma_wait3A_62 = tpu.memref_squeeze %dma_wait3A_61 : memref<1x8x40xi32, #tpu.memory_space<vmem>> -> memref<8x40xi32, #tpu.memory_space<vmem>>
        %dma_wait3A_63 = arith.constant 0 : i32
        %dma_wait3A_64 = tpu.memref_slice %arg3[%add3A_14, %dma_wait3A_63] : memref<5120x40xi32, #tpu.memory_space<hbm>> -> memref<8x40xi32, #tpu.memory_space<hbm>>
        tpu.wait_dma2 semaphore(%run_scoped3A_42 : memref<!tpu.dma_semaphore, #tpu.memory_space<semaphore_mem>>) src(%dma_wait3A_64 : memref<8x40xi32, #tpu.memory_space<hbm>>) dst(%dma_wait3A_62 : memref<8x40xi32, #tpu.memory_space<vmem>>)
        tpu.yield
      }) : () -> ()
      %mul3A_16 = arith.constant 8 : i32
      %mul3A_17 = arith.muli %scan3A_8, %mul3A_16 : i32
      %add3A_18 = arith.addi %mul3A_2, %mul3A_17 : i32
      %run_scoped3A_19 = arith.constant 2 : i32
      "tpu.region"() ({
        %run_scoped3A_42 = tpu.sem_alloc : memref<!tpu.dma_semaphore, #tpu.memory_space<semaphore_mem>>
        %dma_start3A = arith.constant 0 : i32
        %dma_start3A_43 = arith.constant 0 : i32
        %dma_start3A_44 = tpu.memref_slice %arg20[%run_scoped3A_19, %dma_start3A, %dma_start3A_43] : memref<7x8x40xi32, #tpu.memory_space<vmem>> -> memref<1x8x40xi32, #tpu.memory_space<vmem>>
        %dma_start3A_45 = tpu.memref_squeeze %dma_start3A_44 : memref<1x8x40xi32, #tpu.memory_space<vmem>> -> memref<8x40xi32, #tpu.memory_space<vmem>>
        %dma_start3A_46 = arith.constant 0 : i32
        %dma_start3A_47 = tpu.memref_slice %arg4[%add3A_18, %dma_start3A_46] : memref<5120x40xi32, #tpu.memory_space<hbm>> -> memref<8x40xi32, #tpu.memory_space<hbm>>
        %dma_start3A_48 = arith.constant 0 : i32
        %dma_start3A_49 = arith.constant 0 : i32
        %dma_start3A_50 = tpu.memref_slice %arg20[%run_scoped3A_19, %dma_start3A_48, %dma_start3A_49] : memref<7x8x40xi32, #tpu.memory_space<vmem>> -> memref<1x8x40xi32, #tpu.memory_space<vmem>>
        %dma_start3A_51 = tpu.memref_squeeze %dma_start3A_50 : memref<1x8x40xi32, #tpu.memory_space<vmem>> -> memref<8x40xi32, #tpu.memory_space<vmem>>
        %dma_start3A_52 = arith.constant 0 : i32
        %dma_start3A_53 = tpu.memref_slice %arg4[%add3A_18, %dma_start3A_52] : memref<5120x40xi32, #tpu.memory_space<hbm>> -> memref<8x40xi32, #tpu.memory_space<hbm>>
        tpu.enqueue_dma source(%dma_start3A_53 : memref<8x40xi32, #tpu.memory_space<hbm>>) target(%dma_start3A_51 : memref<8x40xi32, #tpu.memory_space<vmem>>) target_semaphore(%run_scoped3A_42 : memref<!tpu.dma_semaphore, #tpu.memory_space<semaphore_mem>>)
        %dma_wait3A = arith.constant 0 : i32
        %dma_wait3A_54 = arith.constant 0 : i32
        %dma_wait3A_55 = tpu.memref_slice %arg20[%run_scoped3A_19, %dma_wait3A, %dma_wait3A_54] : memref<7x8x40xi32, #tpu.memory_space<vmem>> -> memref<1x8x40xi32, #tpu.memory_space<vmem>>
        %dma_wait3A_56 = tpu.memref_squeeze %dma_wait3A_55 : memref<1x8x40xi32, #tpu.memory_space<vmem>> -> memref<8x40xi32, #tpu.memory_space<vmem>>
        %dma_wait3A_57 = arith.constant 0 : i32
        %dma_wait3A_58 = tpu.memref_slice %arg4[%add3A_18, %dma_wait3A_57] : memref<5120x40xi32, #tpu.memory_space<hbm>> -> memref<8x40xi32, #tpu.memory_space<hbm>>
        %dma_wait3A_59 = arith.constant 0 : i32
        %dma_wait3A_60 = arith.constant 0 : i32
        %dma_wait3A_61 = tpu.memref_slice %arg20[%run_scoped3A_19, %dma_wait3A_59, %dma_wait3A_60] : memref<7x8x40xi32, #tpu.memory_space<vmem>> -> memref<1x8x40xi32, #tpu.memory_space<vmem>>
        %dma_wait3A_62 = tpu.memref_squeeze %dma_wait3A_61 : memref<1x8x40xi32, #tpu.memory_space<vmem>> -> memref<8x40xi32, #tpu.memory_space<vmem>>
        %dma_wait3A_63 = arith.constant 0 : i32
        %dma_wait3A_64 = tpu.memref_slice %arg4[%add3A_18, %dma_wait3A_63] : memref<5120x40xi32, #tpu.memory_space<hbm>> -> memref<8x40xi32, #tpu.memory_space<hbm>>
        tpu.wait_dma2 semaphore(%run_scoped3A_42 : memref<!tpu.dma_semaphore, #tpu.memory_space<semaphore_mem>>) src(%dma_wait3A_64 : memref<8x40xi32, #tpu.memory_space<hbm>>) dst(%dma_wait3A_62 : memref<8x40xi32, #tpu.memory_space<vmem>>)
        tpu.yield
      }) : () -> ()
      %mul3A_20 = arith.constant 8 : i32
      %mul3A_21 = arith.muli %scan3A_8, %mul3A_20 : i32
      %add3A_22 = arith.addi %mul3A_2, %mul3A_21 : i32
      %run_scoped3A_23 = arith.constant 3 : i32
      "tpu.region"() ({
        %run_scoped3A_42 = tpu.sem_alloc : memref<!tpu.dma_semaphore, #tpu.memory_space<semaphore_mem>>
        %dma_start3A = arith.constant 0 : i32
        %dma_start3A_43 = arith.constant 0 : i32
        %dma_start3A_44 = tpu.memref_slice %arg20[%run_scoped3A_23, %dma_start3A, %dma_start3A_43] : memref<7x8x40xi32, #tpu.memory_space<vmem>> -> memref<1x8x40xi32, #tpu.memory_space<vmem>>
        %dma_start3A_45 = tpu.memref_squeeze %dma_start3A_44 : memref<1x8x40xi32, #tpu.memory_space<vmem>> -> memref<8x40xi32, #tpu.memory_space<vmem>>
        %dma_start3A_46 = arith.constant 0 : i32
        %dma_start3A_47 = tpu.memref_slice %arg5[%add3A_22, %dma_start3A_46] : memref<5120x40xi32, #tpu.memory_space<hbm>> -> memref<8x40xi32, #tpu.memory_space<hbm>>
        %dma_start3A_48 = arith.constant 0 : i32
        %dma_start3A_49 = arith.constant 0 : i32
        %dma_start3A_50 = tpu.memref_slice %arg20[%run_scoped3A_23, %dma_start3A_48, %dma_start3A_49] : memref<7x8x40xi32, #tpu.memory_space<vmem>> -> memref<1x8x40xi32, #tpu.memory_space<vmem>>
        %dma_start3A_51 = tpu.memref_squeeze %dma_start3A_50 : memref<1x8x40xi32, #tpu.memory_space<vmem>> -> memref<8x40xi32, #tpu.memory_space<vmem>>
        %dma_start3A_52 = arith.constant 0 : i32
        %dma_start3A_53 = tpu.memref_slice %arg5[%add3A_22, %dma_start3A_52] : memref<5120x40xi32, #tpu.memory_space<hbm>> -> memref<8x40xi32, #tpu.memory_space<hbm>>
        tpu.enqueue_dma source(%dma_start3A_53 : memref<8x40xi32, #tpu.memory_space<hbm>>) target(%dma_start3A_51 : memref<8x40xi32, #tpu.memory_space<vmem>>) target_semaphore(%run_scoped3A_42 : memref<!tpu.dma_semaphore, #tpu.memory_space<semaphore_mem>>)
        %dma_wait3A = arith.constant 0 : i32
        %dma_wait3A_54 = arith.constant 0 : i32
        %dma_wait3A_55 = tpu.memref_slice %arg20[%run_scoped3A_23, %dma_wait3A, %dma_wait3A_54] : memref<7x8x40xi32, #tpu.memory_space<vmem>> -> memref<1x8x40xi32, #tpu.memory_space<vmem>>
        %dma_wait3A_56 = tpu.memref_squeeze %dma_wait3A_55 : memref<1x8x40xi32, #tpu.memory_space<vmem>> -> memref<8x40xi32, #tpu.memory_space<vmem>>
        %dma_wait3A_57 = arith.constant 0 : i32
        %dma_wait3A_58 = tpu.memref_slice %arg5[%add3A_22, %dma_wait3A_57] : memref<5120x40xi32, #tpu.memory_space<hbm>> -> memref<8x40xi32, #tpu.memory_space<hbm>>
        %dma_wait3A_59 = arith.constant 0 : i32
        %dma_wait3A_60 = arith.constant 0 : i32
        %dma_wait3A_61 = tpu.memref_slice %arg20[%run_scoped3A_23, %dma_wait3A_59, %dma_wait3A_60] : memref<7x8x40xi32, #tpu.memory_space<vmem>> -> memref<1x8x40xi32, #tpu.memory_space<vmem>>
        %dma_wait3A_62 = tpu.memref_squeeze %dma_wait3A_61 : memref<1x8x40xi32, #tpu.memory_space<vmem>> -> memref<8x40xi32, #tpu.memory_space<vmem>>
        %dma_wait3A_63 = arith.constant 0 : i32
        %dma_wait3A_64 = tpu.memref_slice %arg5[%add3A_22, %dma_wait3A_63] : memref<5120x40xi32, #tpu.memory_space<hbm>> -> memref<8x40xi32, #tpu.memory_space<hbm>>
        tpu.wait_dma2 semaphore(%run_scoped3A_42 : memref<!tpu.dma_semaphore, #tpu.memory_space<semaphore_mem>>) src(%dma_wait3A_64 : memref<8x40xi32, #tpu.memory_space<hbm>>) dst(%dma_wait3A_62 : memref<8x40xi32, #tpu.memory_space<vmem>>)
        tpu.yield
      }) : () -> ()
      %mul3A_24 = arith.constant 8 : i32
      %mul3A_25 = arith.muli %scan3A_8, %mul3A_24 : i32
      %add3A_26 = arith.addi %mul3A_2, %mul3A_25 : i32
      %run_scoped3A_27 = arith.constant 4 : i32
      "tpu.region"() ({
        %run_scoped3A_42 = tpu.sem_alloc : memref<!tpu.dma_semaphore, #tpu.memory_space<semaphore_mem>>
        %dma_start3A = arith.constant 0 : i32
        %dma_start3A_43 = arith.constant 0 : i32
        %dma_start3A_44 = tpu.memref_slice %arg20[%run_scoped3A_27, %dma_start3A, %dma_start3A_43] : memref<7x8x40xi32, #tpu.memory_space<vmem>> -> memref<1x8x40xi32, #tpu.memory_space<vmem>>
        %dma_start3A_45 = tpu.memref_squeeze %dma_start3A_44 : memref<1x8x40xi32, #tpu.memory_space<vmem>> -> memref<8x40xi32, #tpu.memory_space<vmem>>
        %dma_start3A_46 = arith.constant 0 : i32
        %dma_start3A_47 = tpu.memref_slice %arg6[%add3A_26, %dma_start3A_46] : memref<5120x40xi32, #tpu.memory_space<hbm>> -> memref<8x40xi32, #tpu.memory_space<hbm>>
        %dma_start3A_48 = arith.constant 0 : i32
        %dma_start3A_49 = arith.constant 0 : i32
        %dma_start3A_50 = tpu.memref_slice %arg20[%run_scoped3A_27, %dma_start3A_48, %dma_start3A_49] : memref<7x8x40xi32, #tpu.memory_space<vmem>> -> memref<1x8x40xi32, #tpu.memory_space<vmem>>
        %dma_start3A_51 = tpu.memref_squeeze %dma_start3A_50 : memref<1x8x40xi32, #tpu.memory_space<vmem>> -> memref<8x40xi32, #tpu.memory_space<vmem>>
        %dma_start3A_52 = arith.constant 0 : i32
        %dma_start3A_53 = tpu.memref_slice %arg6[%add3A_26, %dma_start3A_52] : memref<5120x40xi32, #tpu.memory_space<hbm>> -> memref<8x40xi32, #tpu.memory_space<hbm>>
        tpu.enqueue_dma source(%dma_start3A_53 : memref<8x40xi32, #tpu.memory_space<hbm>>) target(%dma_start3A_51 : memref<8x40xi32, #tpu.memory_space<vmem>>) target_semaphore(%run_scoped3A_42 : memref<!tpu.dma_semaphore, #tpu.memory_space<semaphore_mem>>)
        %dma_wait3A = arith.constant 0 : i32
        %dma_wait3A_54 = arith.constant 0 : i32
        %dma_wait3A_55 = tpu.memref_slice %arg20[%run_scoped3A_27, %dma_wait3A, %dma_wait3A_54] : memref<7x8x40xi32, #tpu.memory_space<vmem>> -> memref<1x8x40xi32, #tpu.memory_space<vmem>>
        %dma_wait3A_56 = tpu.memref_squeeze %dma_wait3A_55 : memref<1x8x40xi32, #tpu.memory_space<vmem>> -> memref<8x40xi32, #tpu.memory_space<vmem>>
        %dma_wait3A_57 = arith.constant 0 : i32
        %dma_wait3A_58 = tpu.memref_slice %arg6[%add3A_26, %dma_wait3A_57] : memref<5120x40xi32, #tpu.memory_space<hbm>> -> memref<8x40xi32, #tpu.memory_space<hbm>>
        %dma_wait3A_59 = arith.constant 0 : i32
        %dma_wait3A_60 = arith.constant 0 : i32
        %dma_wait3A_61 = tpu.memref_slice %arg20[%run_scoped3A_27, %dma_wait3A_59, %dma_wait3A_60] : memref<7x8x40xi32, #tpu.memory_space<vmem>> -> memref<1x8x40xi32, #tpu.memory_space<vmem>>
        %dma_wait3A_62 = tpu.memref_squeeze %dma_wait3A_61 : memref<1x8x40xi32, #tpu.memory_space<vmem>> -> memref<8x40xi32, #tpu.memory_space<vmem>>
        %dma_wait3A_63 = arith.constant 0 : i32
        %dma_wait3A_64 = tpu.memref_slice %arg6[%add3A_26, %dma_wait3A_63] : memref<5120x40xi32, #tpu.memory_space<hbm>> -> memref<8x40xi32, #tpu.memory_space<hbm>>
        tpu.wait_dma2 semaphore(%run_scoped3A_42 : memref<!tpu.dma_semaphore, #tpu.memory_space<semaphore_mem>>) src(%dma_wait3A_64 : memref<8x40xi32, #tpu.memory_space<hbm>>) dst(%dma_wait3A_62 : memref<8x40xi32, #tpu.memory_space<vmem>>)
        tpu.yield
      }) : () -> ()
      %mul3A_28 = arith.constant 8 : i32
      %mul3A_29 = arith.muli %scan3A_8, %mul3A_28 : i32
      %add3A_30 = arith.addi %mul3A_2, %mul3A_29 : i32
      %run_scoped3A_31 = arith.constant 5 : i32
      "tpu.region"() ({
        %run_scoped3A_42 = tpu.sem_alloc : memref<!tpu.dma_semaphore, #tpu.memory_space<semaphore_mem>>
        %dma_start3A = arith.constant 0 : i32
        %dma_start3A_43 = arith.constant 0 : i32
        %dma_start3A_44 = tpu.memref_slice %arg20[%run_scoped3A_31, %dma_start3A, %dma_start3A_43] : memref<7x8x40xi32, #tpu.memory_space<vmem>> -> memref<1x8x40xi32, #tpu.memory_space<vmem>>
        %dma_start3A_45 = tpu.memref_squeeze %dma_start3A_44 : memref<1x8x40xi32, #tpu.memory_space<vmem>> -> memref<8x40xi32, #tpu.memory_space<vmem>>
        %dma_start3A_46 = arith.constant 0 : i32
        %dma_start3A_47 = tpu.memref_slice %arg7[%add3A_30, %dma_start3A_46] : memref<5120x40xi32, #tpu.memory_space<hbm>> -> memref<8x40xi32, #tpu.memory_space<hbm>>
        %dma_start3A_48 = arith.constant 0 : i32
        %dma_start3A_49 = arith.constant 0 : i32
        %dma_start3A_50 = tpu.memref_slice %arg20[%run_scoped3A_31, %dma_start3A_48, %dma_start3A_49] : memref<7x8x40xi32, #tpu.memory_space<vmem>> -> memref<1x8x40xi32, #tpu.memory_space<vmem>>
        %dma_start3A_51 = tpu.memref_squeeze %dma_start3A_50 : memref<1x8x40xi32, #tpu.memory_space<vmem>> -> memref<8x40xi32, #tpu.memory_space<vmem>>
        %dma_start3A_52 = arith.constant 0 : i32
        %dma_start3A_53 = tpu.memref_slice %arg7[%add3A_30, %dma_start3A_52] : memref<5120x40xi32, #tpu.memory_space<hbm>> -> memref<8x40xi32, #tpu.memory_space<hbm>>
        tpu.enqueue_dma source(%dma_start3A_53 : memref<8x40xi32, #tpu.memory_space<hbm>>) target(%dma_start3A_51 : memref<8x40xi32, #tpu.memory_space<vmem>>) target_semaphore(%run_scoped3A_42 : memref<!tpu.dma_semaphore, #tpu.memory_space<semaphore_mem>>)
        %dma_wait3A = arith.constant 0 : i32
        %dma_wait3A_54 = arith.constant 0 : i32
        %dma_wait3A_55 = tpu.memref_slice %arg20[%run_scoped3A_31, %dma_wait3A, %dma_wait3A_54] : memref<7x8x40xi32, #tpu.memory_space<vmem>> -> memref<1x8x40xi32, #tpu.memory_space<vmem>>
        %dma_wait3A_56 = tpu.memref_squeeze %dma_wait3A_55 : memref<1x8x40xi32, #tpu.memory_space<vmem>> -> memref<8x40xi32, #tpu.memory_space<vmem>>
        %dma_wait3A_57 = arith.constant 0 : i32
        %dma_wait3A_58 = tpu.memref_slice %arg7[%add3A_30, %dma_wait3A_57] : memref<5120x40xi32, #tpu.memory_space<hbm>> -> memref<8x40xi32, #tpu.memory_space<hbm>>
        %dma_wait3A_59 = arith.constant 0 : i32
        %dma_wait3A_60 = arith.constant 0 : i32
        %dma_wait3A_61 = tpu.memref_slice %arg20[%run_scoped3A_31, %dma_wait3A_59, %dma_wait3A_60] : memref<7x8x40xi32, #tpu.memory_space<vmem>> -> memref<1x8x40xi32, #tpu.memory_space<vmem>>
        %dma_wait3A_62 = tpu.memref_squeeze %dma_wait3A_61 : memref<1x8x40xi32, #tpu.memory_space<vmem>> -> memref<8x40xi32, #tpu.memory_space<vmem>>
        %dma_wait3A_63 = arith.constant 0 : i32
        %dma_wait3A_64 = tpu.memref_slice %arg7[%add3A_30, %dma_wait3A_63] : memref<5120x40xi32, #tpu.memory_space<hbm>> -> memref<8x40xi32, #tpu.memory_space<hbm>>
        tpu.wait_dma2 semaphore(%run_scoped3A_42 : memref<!tpu.dma_semaphore, #tpu.memory_space<semaphore_mem>>) src(%dma_wait3A_64 : memref<8x40xi32, #tpu.memory_space<hbm>>) dst(%dma_wait3A_62 : memref<8x40xi32, #tpu.memory_space<vmem>>)
        tpu.yield
      }) : () -> ()
      %mul3A_32 = arith.constant 8 : i32
      %mul3A_33 = arith.muli %scan3A_8, %mul3A_32 : i32
      %add3A_34 = arith.addi %mul3A_2, %mul3A_33 : i32
      %run_scoped3A_35 = arith.constant 6 : i32
      "tpu.region"() ({
        %run_scoped3A_42 = tpu.sem_alloc : memref<!tpu.dma_semaphore, #tpu.memory_space<semaphore_mem>>
        %dma_start3A = arith.constant 0 : i32
        %dma_start3A_43 = arith.constant 0 : i32
        %dma_start3A_44 = tpu.memref_slice %arg20[%run_scoped3A_35, %dma_start3A, %dma_start3A_43] : memref<7x8x40xi32, #tpu.memory_space<vmem>> -> memref<1x8x40xi32, #tpu.memory_space<vmem>>
        %dma_start3A_45 = tpu.memref_squeeze %dma_start3A_44 : memref<1x8x40xi32, #tpu.memory_space<vmem>> -> memref<8x40xi32, #tpu.memory_space<vmem>>
        %dma_start3A_46 = arith.constant 0 : i32
        %dma_start3A_47 = tpu.memref_slice %arg8[%add3A_34, %dma_start3A_46] : memref<5120x40xi32, #tpu.memory_space<hbm>> -> memref<8x40xi32, #tpu.memory_space<hbm>>
        %dma_start3A_48 = arith.constant 0 : i32
        %dma_start3A_49 = arith.constant 0 : i32
        %dma_start3A_50 = tpu.memref_slice %arg20[%run_scoped3A_35, %dma_start3A_48, %dma_start3A_49] : memref<7x8x40xi32, #tpu.memory_space<vmem>> -> memref<1x8x40xi32, #tpu.memory_space<vmem>>
        %dma_start3A_51 = tpu.memref_squeeze %dma_start3A_50 : memref<1x8x40xi32, #tpu.memory_space<vmem>> -> memref<8x40xi32, #tpu.memory_space<vmem>>
        %dma_start3A_52 = arith.constant 0 : i32
        %dma_start3A_53 = tpu.memref_slice %arg8[%add3A_34, %dma_start3A_52] : memref<5120x40xi32, #tpu.memory_space<hbm>> -> memref<8x40xi32, #tpu.memory_space<hbm>>
        tpu.enqueue_dma source(%dma_start3A_53 : memref<8x40xi32, #tpu.memory_space<hbm>>) target(%dma_start3A_51 : memref<8x40xi32, #tpu.memory_space<vmem>>) target_semaphore(%run_scoped3A_42 : memref<!tpu.dma_semaphore, #tpu.memory_space<semaphore_mem>>)
        %dma_wait3A = arith.constant 0 : i32
        %dma_wait3A_54 = arith.constant 0 : i32
        %dma_wait3A_55 = tpu.memref_slice %arg20[%run_scoped3A_35, %dma_wait3A, %dma_wait3A_54] : memref<7x8x40xi32, #tpu.memory_space<vmem>> -> memref<1x8x40xi32, #tpu.memory_space<vmem>>
        %dma_wait3A_56 = tpu.memref_squeeze %dma_wait3A_55 : memref<1x8x40xi32, #tpu.memory_space<vmem>> -> memref<8x40xi32, #tpu.memory_space<vmem>>
        %dma_wait3A_57 = arith.constant 0 : i32
        %dma_wait3A_58 = tpu.memref_slice %arg8[%add3A_34, %dma_wait3A_57] : memref<5120x40xi32, #tpu.memory_space<hbm>> -> memref<8x40xi32, #tpu.memory_space<hbm>>
        %dma_wait3A_59 = arith.constant 0 : i32
        %dma_wait3A_60 = arith.constant 0 : i32
        %dma_wait3A_61 = tpu.memref_slice %arg20[%run_scoped3A_35, %dma_wait3A_59, %dma_wait3A_60] : memref<7x8x40xi32, #tpu.memory_space<vmem>> -> memref<1x8x40xi32, #tpu.memory_space<vmem>>
        %dma_wait3A_62 = tpu.memref_squeeze %dma_wait3A_61 : memref<1x8x40xi32, #tpu.memory_space<vmem>> -> memref<8x40xi32, #tpu.memory_space<vmem>>
        %dma_wait3A_63 = arith.constant 0 : i32
        %dma_wait3A_64 = tpu.memref_slice %arg8[%add3A_34, %dma_wait3A_63] : memref<5120x40xi32, #tpu.memory_space<hbm>> -> memref<8x40xi32, #tpu.memory_space<hbm>>
        tpu.wait_dma2 semaphore(%run_scoped3A_42 : memref<!tpu.dma_semaphore, #tpu.memory_space<semaphore_mem>>) src(%dma_wait3A_64 : memref<8x40xi32, #tpu.memory_space<hbm>>) dst(%dma_wait3A_62 : memref<8x40xi32, #tpu.memory_space<vmem>>)
        tpu.yield
      }) : () -> ()
      %scan3A_36 = arith.constant 0 : i32
      %scan3A_37 = arith.constant 0 : i32
      %scan3A_38 = arith.constant 8 : i32
      %scan3A_39 = arith.addi %scan3A_37, %scan3A_38 : i32
      %scan3A_40 = arith.constant 1 : i32
      scf.for %scan3A_42 = %scan3A_37 to %scan3A_39 step %scan3A_40  : i32 {
        %mul3A_43 = arith.constant 8 : i32
        %mul3A_44 = arith.muli %scan3A_8, %mul3A_43 : i32
        %add3A_45 = arith.addi %mul3A_44, %scan3A_42 : i32
        %dma_start3A = arith.constant 0 : i32
        %dma_start3A_46 = arith.constant 0 : i32
        %dma_start3A_47 = arith.constant 0 : i32
        %dma_start3A_48 = arith.constant 0 : i32
        %dma_start3A_49 = tpu.memref_slice %arg18[%dma_start3A_46, %dma_start3A_47, %dma_start3A_48] : memref<7x40x128xf32, #tpu.memory_space<vmem>> -> memref<1x40x128xf32, #tpu.memory_space<vmem>>
        %dma_start3A_50 = tpu.memref_squeeze %dma_start3A_49 : memref<1x40x128xf32, #tpu.memory_space<vmem>> -> memref<40x128xf32, #tpu.memory_space<vmem>>
        %dma_start3A_51 = arith.constant 0 : i32
        %dma_start3A_52 = tpu.memref_slice %arg20[%dma_start3A, %scan3A_42, %dma_start3A_51] : memref<7x8x40xi32, #tpu.memory_space<vmem>> -> memref<1x1x40xi32, #tpu.memory_space<vmem>>
        %dma_start3A_53 = tpu.memref_squeeze %dma_start3A_52 : memref<1x1x40xi32, #tpu.memory_space<vmem>> -> memref<40xi32, #tpu.memory_space<vmem>>
        %dma_start3A_54 = arith.constant 0 : i32
        %dma_start3A_55 = arith.constant 0 : i32
        %dma_start3A_56 = tpu.memref_slice %arg9[%dma_start3A_54, %dma_start3A_55] : memref<100000x128xf32, #tpu.memory_space<hbm>> -> memref<100000x128xf32, #tpu.memory_space<hbm>>
        tpu.enqueue_indirect_dma source(%dma_start3A_56 : memref<100000x128xf32, #tpu.memory_space<hbm>>) target(%dma_start3A_50 : memref<40x128xf32, #tpu.memory_space<vmem>>) offsets(%dma_start3A_53 : memref<40xi32, #tpu.memory_space<vmem>>) semaphore(%arg21 : memref<!tpu.dma_semaphore, #tpu.memory_space<semaphore_mem>>)
        %dma_start3A_57 = arith.constant 1 : i32
        %dma_start3A_58 = arith.constant 1 : i32
        %dma_start3A_59 = arith.constant 0 : i32
        %dma_start3A_60 = arith.constant 0 : i32
        %dma_start3A_61 = tpu.memref_slice %arg18[%dma_start3A_58, %dma_start3A_59, %dma_start3A_60] : memref<7x40x128xf32, #tpu.memory_space<vmem>> -> memref<1x40x128xf32, #tpu.memory_space<vmem>>
        %dma_start3A_62 = tpu.memref_squeeze %dma_start3A_61 : memref<1x40x128xf32, #tpu.memory_space<vmem>> -> memref<40x128xf32, #tpu.memory_space<vmem>>
        %dma_start3A_63 = arith.constant 0 : i32
        %dma_start3A_64 = tpu.memref_slice %arg20[%dma_start3A_57, %scan3A_42, %dma_start3A_63] : memref<7x8x40xi32, #tpu.memory_space<vmem>> -> memref<1x1x40xi32, #tpu.memory_space<vmem>>
        %dma_start3A_65 = tpu.memref_squeeze %dma_start3A_64 : memref<1x1x40xi32, #tpu.memory_space<vmem>> -> memref<40xi32, #tpu.memory_space<vmem>>
        %dma_start3A_66 = arith.constant 0 : i32
        %dma_start3A_67 = arith.constant 0 : i32
        %dma_start3A_68 = tpu.memref_slice %arg10[%dma_start3A_66, %dma_start3A_67] : memref<1000x128xf32, #tpu.memory_space<hbm>> -> memref<1000x128xf32, #tpu.memory_space<hbm>>
        tpu.enqueue_indirect_dma source(%dma_start3A_68 : memref<1000x128xf32, #tpu.memory_space<hbm>>) target(%dma_start3A_62 : memref<40x128xf32, #tpu.memory_space<vmem>>) offsets(%dma_start3A_65 : memref<40xi32, #tpu.memory_space<vmem>>) semaphore(%arg21 : memref<!tpu.dma_semaphore, #tpu.memory_space<semaphore_mem>>)
        %dma_start3A_69 = arith.constant 2 : i32
        %dma_start3A_70 = arith.constant 2 : i32
        %dma_start3A_71 = arith.constant 0 : i32
        %dma_start3A_72 = arith.constant 0 : i32
        %dma_start3A_73 = tpu.memref_slice %arg18[%dma_start3A_70, %dma_start3A_71, %dma_start3A_72] : memref<7x40x128xf32, #tpu.memory_space<vmem>> -> memref<1x40x128xf32, #tpu.memory_space<vmem>>
        %dma_start3A_74 = tpu.memref_squeeze %dma_start3A_73 : memref<1x40x128xf32, #tpu.memory_space<vmem>> -> memref<40x128xf32, #tpu.memory_space<vmem>>
        %dma_start3A_75 = arith.constant 0 : i32
        %dma_start3A_76 = tpu.memref_slice %arg20[%dma_start3A_69, %scan3A_42, %dma_start3A_75] : memref<7x8x40xi32, #tpu.memory_space<vmem>> -> memref<1x1x40xi32, #tpu.memory_space<vmem>>
        %dma_start3A_77 = tpu.memref_squeeze %dma_start3A_76 : memref<1x1x40xi32, #tpu.memory_space<vmem>> -> memref<40xi32, #tpu.memory_space<vmem>>
        %dma_start3A_78 = arith.constant 0 : i32
        %dma_start3A_79 = arith.constant 0 : i32
        %dma_start3A_80 = tpu.memref_slice %arg11[%dma_start3A_78, %dma_start3A_79] : memref<1000x128xf32, #tpu.memory_space<hbm>> -> memref<1000x128xf32, #tpu.memory_space<hbm>>
        tpu.enqueue_indirect_dma source(%dma_start3A_80 : memref<1000x128xf32, #tpu.memory_space<hbm>>) target(%dma_start3A_74 : memref<40x128xf32, #tpu.memory_space<vmem>>) offsets(%dma_start3A_77 : memref<40xi32, #tpu.memory_space<vmem>>) semaphore(%arg21 : memref<!tpu.dma_semaphore, #tpu.memory_space<semaphore_mem>>)
        %dma_start3A_81 = arith.constant 3 : i32
        %dma_start3A_82 = arith.constant 3 : i32
        %dma_start3A_83 = arith.constant 0 : i32
        %dma_start3A_84 = arith.constant 0 : i32
        %dma_start3A_85 = tpu.memref_slice %arg18[%dma_start3A_82, %dma_start3A_83, %dma_start3A_84] : memref<7x40x128xf32, #tpu.memory_space<vmem>> -> memref<1x40x128xf32, #tpu.memory_space<vmem>>
        %dma_start3A_86 = tpu.memref_squeeze %dma_start3A_85 : memref<1x40x128xf32, #tpu.memory_space<vmem>> -> memref<40x128xf32, #tpu.memory_space<vmem>>
        %dma_start3A_87 = arith.constant 0 : i32
        %dma_start3A_88 = tpu.memref_slice %arg20[%dma_start3A_81, %scan3A_42, %dma_start3A_87] : memref<7x8x40xi32, #tpu.memory_space<vmem>> -> memref<1x1x40xi32, #tpu.memory_space<vmem>>
        %dma_start3A_89 = tpu.memref_squeeze %dma_start3A_88 : memref<1x1x40xi32, #tpu.memory_space<vmem>> -> memref<40xi32, #tpu.memory_space<vmem>>
        %dma_start3A_90 = arith.constant 0 : i32
        %dma_start3A_91 = arith.constant 0 : i32
        %dma_start3A_92 = tpu.memref_slice %arg12[%dma_start3A_90, %dma_start3A_91] : memref<1000x128xf32, #tpu.memory_space<hbm>> -> memref<1000x128xf32, #tpu.memory_space<hbm>>
        tpu.enqueue_indirect_dma source(%dma_start3A_92 : memref<1000x128xf32, #tpu.memory_space<hbm>>) target(%dma_start3A_86 : memref<40x128xf32, #tpu.memory_space<vmem>>) offsets(%dma_start3A_89 : memref<40xi32, #tpu.memory_space<vmem>>) semaphore(%arg21 : memref<!tpu.dma_semaphore, #tpu.memory_space<semaphore_mem>>)
        %dma_start3A_93 = arith.constant 4 : i32
        %dma_start3A_94 = arith.constant 4 : i32
        %dma_start3A_95 = arith.constant 0 : i32
        %dma_start3A_96 = arith.constant 0 : i32
        %dma_start3A_97 = tpu.memref_slice %arg18[%dma_start3A_94, %dma_start3A_95, %dma_start3A_96] : memref<7x40x128xf32, #tpu.memory_space<vmem>> -> memref<1x40x128xf32, #tpu.memory_space<vmem>>
        %dma_start3A_98 = tpu.memref_squeeze %dma_start3A_97 : memref<1x40x128xf32, #tpu.memory_space<vmem>> -> memref<40x128xf32, #tpu.memory_space<vmem>>
        %dma_start3A_99 = arith.constant 0 : i32
        %dma_start3A_100 = tpu.memref_slice %arg20[%dma_start3A_93, %scan3A_42, %dma_start3A_99] : memref<7x8x40xi32, #tpu.memory_space<vmem>> -> memref<1x1x40xi32, #tpu.memory_space<vmem>>
        %dma_start3A_101 = tpu.memref_squeeze %dma_start3A_100 : memref<1x1x40xi32, #tpu.memory_space<vmem>> -> memref<40xi32, #tpu.memory_space<vmem>>
        %dma_start3A_102 = arith.constant 0 : i32
        %dma_start3A_103 = arith.constant 0 : i32
        %dma_start3A_104 = tpu.memref_slice %arg13[%dma_start3A_102, %dma_start3A_103] : memref<1000x128xf32, #tpu.memory_space<hbm>> -> memref<1000x128xf32, #tpu.memory_space<hbm>>
        tpu.enqueue_indirect_dma source(%dma_start3A_104 : memref<1000x128xf32, #tpu.memory_space<hbm>>) target(%dma_start3A_98 : memref<40x128xf32, #tpu.memory_space<vmem>>) offsets(%dma_start3A_101 : memref<40xi32, #tpu.memory_space<vmem>>) semaphore(%arg21 : memref<!tpu.dma_semaphore, #tpu.memory_space<semaphore_mem>>)
        %dma_start3A_105 = arith.constant 5 : i32
        %dma_start3A_106 = arith.constant 5 : i32
        %dma_start3A_107 = arith.constant 0 : i32
        %dma_start3A_108 = arith.constant 0 : i32
        %dma_start3A_109 = tpu.memref_slice %arg18[%dma_start3A_106, %dma_start3A_107, %dma_start3A_108] : memref<7x40x128xf32, #tpu.memory_space<vmem>> -> memref<1x40x128xf32, #tpu.memory_space<vmem>>
        %dma_start3A_110 = tpu.memref_squeeze %dma_start3A_109 : memref<1x40x128xf32, #tpu.memory_space<vmem>> -> memref<40x128xf32, #tpu.memory_space<vmem>>
        %dma_start3A_111 = arith.constant 0 : i32
        %dma_start3A_112 = tpu.memref_slice %arg20[%dma_start3A_105, %scan3A_42, %dma_start3A_111] : memref<7x8x40xi32, #tpu.memory_space<vmem>> -> memref<1x1x40xi32, #tpu.memory_space<vmem>>
        %dma_start3A_113 = tpu.memref_squeeze %dma_start3A_112 : memref<1x1x40xi32, #tpu.memory_space<vmem>> -> memref<40xi32, #tpu.memory_space<vmem>>
        %dma_start3A_114 = arith.constant 0 : i32
        %dma_start3A_115 = arith.constant 0 : i32
        %dma_start3A_116 = tpu.memref_slice %arg14[%dma_start3A_114, %dma_start3A_115] : memref<1000x128xf32, #tpu.memory_space<hbm>> -> memref<1000x128xf32, #tpu.memory_space<hbm>>
        tpu.enqueue_indirect_dma source(%dma_start3A_116 : memref<1000x128xf32, #tpu.memory_space<hbm>>) target(%dma_start3A_110 : memref<40x128xf32, #tpu.memory_space<vmem>>) offsets(%dma_start3A_113 : memref<40xi32, #tpu.memory_space<vmem>>) semaphore(%arg21 : memref<!tpu.dma_semaphore, #tpu.memory_space<semaphore_mem>>)
        %dma_start3A_117 = arith.constant 6 : i32
        %dma_start3A_118 = arith.constant 6 : i32
        %dma_start3A_119 = arith.constant 0 : i32
        %dma_start3A_120 = arith.constant 0 : i32
        %dma_start3A_121 = tpu.memref_slice %arg18[%dma_start3A_118, %dma_start3A_119, %dma_start3A_120] : memref<7x40x128xf32, #tpu.memory_space<vmem>> -> memref<1x40x128xf32, #tpu.memory_space<vmem>>
        %dma_start3A_122 = tpu.memref_squeeze %dma_start3A_121 : memref<1x40x128xf32, #tpu.memory_space<vmem>> -> memref<40x128xf32, #tpu.memory_space<vmem>>
        %dma_start3A_123 = arith.constant 0 : i32
        %dma_start3A_124 = tpu.memref_slice %arg20[%dma_start3A_117, %scan3A_42, %dma_start3A_123] : memref<7x8x40xi32, #tpu.memory_space<vmem>> -> memref<1x1x40xi32, #tpu.memory_space<vmem>>
        %dma_start3A_125 = tpu.memref_squeeze %dma_start3A_124 : memref<1x1x40xi32, #tpu.memory_space<vmem>> -> memref<40xi32, #tpu.memory_space<vmem>>
        %dma_start3A_126 = arith.constant 0 : i32
        %dma_start3A_127 = arith.constant 0 : i32
        %dma_start3A_128 = tpu.memref_slice %arg15[%dma_start3A_126, %dma_start3A_127] : memref<1000x128xf32, #tpu.memory_space<hbm>> -> memref<1000x128xf32, #tpu.memory_space<hbm>>
        tpu.enqueue_indirect_dma source(%dma_start3A_128 : memref<1000x128xf32, #tpu.memory_space<hbm>>) target(%dma_start3A_122 : memref<40x128xf32, #tpu.memory_space<vmem>>) offsets(%dma_start3A_125 : memref<40xi32, #tpu.memory_space<vmem>>) semaphore(%arg21 : memref<!tpu.dma_semaphore, #tpu.memory_space<semaphore_mem>>)
        %dma_wait3A = arith.constant 0 : i32
        %dma_wait3A_129 = arith.constant 0 : i32
        %dma_wait3A_130 = arith.constant 0 : i32
        %dma_wait3A_131 = arith.constant 0 : i32
        %dma_wait3A_132 = tpu.memref_slice %arg18[%dma_wait3A_129, %dma_wait3A_130, %dma_wait3A_131] : memref<7x40x128xf32, #tpu.memory_space<vmem>> -> memref<1x40x128xf32, #tpu.memory_space<vmem>>
        %dma_wait3A_133 = tpu.memref_squeeze %dma_wait3A_132 : memref<1x40x128xf32, #tpu.memory_space<vmem>> -> memref<40x128xf32, #tpu.memory_space<vmem>>
        %dma_wait3A_134 = arith.constant 0 : i32
        %dma_wait3A_135 = tpu.memref_slice %arg20[%dma_wait3A, %scan3A_42, %dma_wait3A_134] : memref<7x8x40xi32, #tpu.memory_space<vmem>> -> memref<1x1x40xi32, #tpu.memory_space<vmem>>
        %dma_wait3A_136 = tpu.memref_squeeze %dma_wait3A_135 : memref<1x1x40xi32, #tpu.memory_space<vmem>> -> memref<40xi32, #tpu.memory_space<vmem>>
        %dma_wait3A_137 = arith.constant 0 : i32
        %dma_wait3A_138 = arith.constant 0 : i32
        %dma_wait3A_139 = tpu.memref_slice %arg9[%dma_wait3A_137, %dma_wait3A_138] : memref<100000x128xf32, #tpu.memory_space<hbm>> -> memref<100000x128xf32, #tpu.memory_space<hbm>>
        tpu.wait_indirect_dma semaphore(%arg21 : memref<!tpu.dma_semaphore, #tpu.memory_space<semaphore_mem>>) src(%dma_wait3A_139 : memref<100000x128xf32, #tpu.memory_space<hbm>>) dst(%dma_wait3A_133 : memref<40x128xf32, #tpu.memory_space<vmem>>)
        %dma_wait3A_140 = arith.constant 1 : i32
        %dma_wait3A_141 = arith.constant 1 : i32
        %dma_wait3A_142 = arith.constant 0 : i32
        %dma_wait3A_143 = arith.constant 0 : i32
        %dma_wait3A_144 = tpu.memref_slice %arg18[%dma_wait3A_141, %dma_wait3A_142, %dma_wait3A_143] : memref<7x40x128xf32, #tpu.memory_space<vmem>> -> memref<1x40x128xf32, #tpu.memory_space<vmem>>
        %dma_wait3A_145 = tpu.memref_squeeze %dma_wait3A_144 : memref<1x40x128xf32, #tpu.memory_space<vmem>> -> memref<40x128xf32, #tpu.memory_space<vmem>>
        %dma_wait3A_146 = arith.constant 0 : i32
        %dma_wait3A_147 = tpu.memref_slice %arg20[%dma_wait3A_140, %scan3A_42, %dma_wait3A_146] : memref<7x8x40xi32, #tpu.memory_space<vmem>> -> memref<1x1x40xi32, #tpu.memory_space<vmem>>
        %dma_wait3A_148 = tpu.memref_squeeze %dma_wait3A_147 : memref<1x1x40xi32, #tpu.memory_space<vmem>> -> memref<40xi32, #tpu.memory_space<vmem>>
        %dma_wait3A_149 = arith.constant 0 : i32
        %dma_wait3A_150 = arith.constant 0 : i32
        %dma_wait3A_151 = tpu.memref_slice %arg10[%dma_wait3A_149, %dma_wait3A_150] : memref<1000x128xf32, #tpu.memory_space<hbm>> -> memref<1000x128xf32, #tpu.memory_space<hbm>>
        tpu.wait_indirect_dma semaphore(%arg21 : memref<!tpu.dma_semaphore, #tpu.memory_space<semaphore_mem>>) src(%dma_wait3A_151 : memref<1000x128xf32, #tpu.memory_space<hbm>>) dst(%dma_wait3A_145 : memref<40x128xf32, #tpu.memory_space<vmem>>)
        %dma_wait3A_152 = arith.constant 2 : i32
        %dma_wait3A_153 = arith.constant 2 : i32
        %dma_wait3A_154 = arith.constant 0 : i32
        %dma_wait3A_155 = arith.constant 0 : i32
        %dma_wait3A_156 = tpu.memref_slice %arg18[%dma_wait3A_153, %dma_wait3A_154, %dma_wait3A_155] : memref<7x40x128xf32, #tpu.memory_space<vmem>> -> memref<1x40x128xf32, #tpu.memory_space<vmem>>
        %dma_wait3A_157 = tpu.memref_squeeze %dma_wait3A_156 : memref<1x40x128xf32, #tpu.memory_space<vmem>> -> memref<40x128xf32, #tpu.memory_space<vmem>>
        %dma_wait3A_158 = arith.constant 0 : i32
        %dma_wait3A_159 = tpu.memref_slice %arg20[%dma_wait3A_152, %scan3A_42, %dma_wait3A_158] : memref<7x8x40xi32, #tpu.memory_space<vmem>> -> memref<1x1x40xi32, #tpu.memory_space<vmem>>
        %dma_wait3A_160 = tpu.memref_squeeze %dma_wait3A_159 : memref<1x1x40xi32, #tpu.memory_space<vmem>> -> memref<40xi32, #tpu.memory_space<vmem>>
        %dma_wait3A_161 = arith.constant 0 : i32
        %dma_wait3A_162 = arith.constant 0 : i32
        %dma_wait3A_163 = tpu.memref_slice %arg11[%dma_wait3A_161, %dma_wait3A_162] : memref<1000x128xf32, #tpu.memory_space<hbm>> -> memref<1000x128xf32, #tpu.memory_space<hbm>>
        tpu.wait_indirect_dma semaphore(%arg21 : memref<!tpu.dma_semaphore, #tpu.memory_space<semaphore_mem>>) src(%dma_wait3A_163 : memref<1000x128xf32, #tpu.memory_space<hbm>>) dst(%dma_wait3A_157 : memref<40x128xf32, #tpu.memory_space<vmem>>)
        %dma_wait3A_164 = arith.constant 3 : i32
        %dma_wait3A_165 = arith.constant 3 : i32
        %dma_wait3A_166 = arith.constant 0 : i32
        %dma_wait3A_167 = arith.constant 0 : i32
        %dma_wait3A_168 = tpu.memref_slice %arg18[%dma_wait3A_165, %dma_wait3A_166, %dma_wait3A_167] : memref<7x40x128xf32, #tpu.memory_space<vmem>> -> memref<1x40x128xf32, #tpu.memory_space<vmem>>
        %dma_wait3A_169 = tpu.memref_squeeze %dma_wait3A_168 : memref<1x40x128xf32, #tpu.memory_space<vmem>> -> memref<40x128xf32, #tpu.memory_space<vmem>>
        %dma_wait3A_170 = arith.constant 0 : i32
        %dma_wait3A_171 = tpu.memref_slice %arg20[%dma_wait3A_164, %scan3A_42, %dma_wait3A_170] : memref<7x8x40xi32, #tpu.memory_space<vmem>> -> memref<1x1x40xi32, #tpu.memory_space<vmem>>
        %dma_wait3A_172 = tpu.memref_squeeze %dma_wait3A_171 : memref<1x1x40xi32, #tpu.memory_space<vmem>> -> memref<40xi32, #tpu.memory_space<vmem>>
        %dma_wait3A_173 = arith.constant 0 : i32
        %dma_wait3A_174 = arith.constant 0 : i32
        %dma_wait3A_175 = tpu.memref_slice %arg12[%dma_wait3A_173, %dma_wait3A_174] : memref<1000x128xf32, #tpu.memory_space<hbm>> -> memref<1000x128xf32, #tpu.memory_space<hbm>>
        tpu.wait_indirect_dma semaphore(%arg21 : memref<!tpu.dma_semaphore, #tpu.memory_space<semaphore_mem>>) src(%dma_wait3A_175 : memref<1000x128xf32, #tpu.memory_space<hbm>>) dst(%dma_wait3A_169 : memref<40x128xf32, #tpu.memory_space<vmem>>)
        %dma_wait3A_176 = arith.constant 4 : i32
        %dma_wait3A_177 = arith.constant 4 : i32
        %dma_wait3A_178 = arith.constant 0 : i32
        %dma_wait3A_179 = arith.constant 0 : i32
        %dma_wait3A_180 = tpu.memref_slice %arg18[%dma_wait3A_177, %dma_wait3A_178, %dma_wait3A_179] : memref<7x40x128xf32, #tpu.memory_space<vmem>> -> memref<1x40x128xf32, #tpu.memory_space<vmem>>
        %dma_wait3A_181 = tpu.memref_squeeze %dma_wait3A_180 : memref<1x40x128xf32, #tpu.memory_space<vmem>> -> memref<40x128xf32, #tpu.memory_space<vmem>>
        %dma_wait3A_182 = arith.constant 0 : i32
        %dma_wait3A_183 = tpu.memref_slice %arg20[%dma_wait3A_176, %scan3A_42, %dma_wait3A_182] : memref<7x8x40xi32, #tpu.memory_space<vmem>> -> memref<1x1x40xi32, #tpu.memory_space<vmem>>
        %dma_wait3A_184 = tpu.memref_squeeze %dma_wait3A_183 : memref<1x1x40xi32, #tpu.memory_space<vmem>> -> memref<40xi32, #tpu.memory_space<vmem>>
        %dma_wait3A_185 = arith.constant 0 : i32
        %dma_wait3A_186 = arith.constant 0 : i32
        %dma_wait3A_187 = tpu.memref_slice %arg13[%dma_wait3A_185, %dma_wait3A_186] : memref<1000x128xf32, #tpu.memory_space<hbm>> -> memref<1000x128xf32, #tpu.memory_space<hbm>>
        tpu.wait_indirect_dma semaphore(%arg21 : memref<!tpu.dma_semaphore, #tpu.memory_space<semaphore_mem>>) src(%dma_wait3A_187 : memref<1000x128xf32, #tpu.memory_space<hbm>>) dst(%dma_wait3A_181 : memref<40x128xf32, #tpu.memory_space<vmem>>)
        %dma_wait3A_188 = arith.constant 5 : i32
        %dma_wait3A_189 = arith.constant 5 : i32
        %dma_wait3A_190 = arith.constant 0 : i32
        %dma_wait3A_191 = arith.constant 0 : i32
        %dma_wait3A_192 = tpu.memref_slice %arg18[%dma_wait3A_189, %dma_wait3A_190, %dma_wait3A_191] : memref<7x40x128xf32, #tpu.memory_space<vmem>> -> memref<1x40x128xf32, #tpu.memory_space<vmem>>
        %dma_wait3A_193 = tpu.memref_squeeze %dma_wait3A_192 : memref<1x40x128xf32, #tpu.memory_space<vmem>> -> memref<40x128xf32, #tpu.memory_space<vmem>>
        %dma_wait3A_194 = arith.constant 0 : i32
        %dma_wait3A_195 = tpu.memref_slice %arg20[%dma_wait3A_188, %scan3A_42, %dma_wait3A_194] : memref<7x8x40xi32, #tpu.memory_space<vmem>> -> memref<1x1x40xi32, #tpu.memory_space<vmem>>
        %dma_wait3A_196 = tpu.memref_squeeze %dma_wait3A_195 : memref<1x1x40xi32, #tpu.memory_space<vmem>> -> memref<40xi32, #tpu.memory_space<vmem>>
        %dma_wait3A_197 = arith.constant 0 : i32
        %dma_wait3A_198 = arith.constant 0 : i32
        %dma_wait3A_199 = tpu.memref_slice %arg14[%dma_wait3A_197, %dma_wait3A_198] : memref<1000x128xf32, #tpu.memory_space<hbm>> -> memref<1000x128xf32, #tpu.memory_space<hbm>>
        tpu.wait_indirect_dma semaphore(%arg21 : memref<!tpu.dma_semaphore, #tpu.memory_space<semaphore_mem>>) src(%dma_wait3A_199 : memref<1000x128xf32, #tpu.memory_space<hbm>>) dst(%dma_wait3A_193 : memref<40x128xf32, #tpu.memory_space<vmem>>)
        %dma_wait3A_200 = arith.constant 6 : i32
        %dma_wait3A_201 = arith.constant 6 : i32
        %dma_wait3A_202 = arith.constant 0 : i32
        %dma_wait3A_203 = arith.constant 0 : i32
        %dma_wait3A_204 = tpu.memref_slice %arg18[%dma_wait3A_201, %dma_wait3A_202, %dma_wait3A_203] : memref<7x40x128xf32, #tpu.memory_space<vmem>> -> memref<1x40x128xf32, #tpu.memory_space<vmem>>
        %dma_wait3A_205 = tpu.memref_squeeze %dma_wait3A_204 : memref<1x40x128xf32, #tpu.memory_space<vmem>> -> memref<40x128xf32, #tpu.memory_space<vmem>>
        %dma_wait3A_206 = arith.constant 0 : i32
        %dma_wait3A_207 = tpu.memref_slice %arg20[%dma_wait3A_200, %scan3A_42, %dma_wait3A_206] : memref<7x8x40xi32, #tpu.memory_space<vmem>> -> memref<1x1x40xi32, #tpu.memory_space<vmem>>
        %dma_wait3A_208 = tpu.memref_squeeze %dma_wait3A_207 : memref<1x1x40xi32, #tpu.memory_space<vmem>> -> memref<40xi32, #tpu.memory_space<vmem>>
        %dma_wait3A_209 = arith.constant 0 : i32
        %dma_wait3A_210 = arith.constant 0 : i32
        %dma_wait3A_211 = tpu.memref_slice %arg15[%dma_wait3A_209, %dma_wait3A_210] : memref<1000x128xf32, #tpu.memory_space<hbm>> -> memref<1000x128xf32, #tpu.memory_space<hbm>>
        tpu.wait_indirect_dma semaphore(%arg21 : memref<!tpu.dma_semaphore, #tpu.memory_space<semaphore_mem>>) src(%dma_wait3A_211 : memref<1000x128xf32, #tpu.memory_space<hbm>>) dst(%dma_wait3A_205 : memref<40x128xf32, #tpu.memory_space<vmem>>)
        %mul3A_212 = arith.constant 40 : i32
        %mul3A_213 = arith.muli %add3A_45, %mul3A_212 : i32
        %rem3A = arith.constant 200 : i32
        %rem3A_214 = arith.remsi %mul3A_213, %rem3A : i32
        %scan3A_215 = arith.constant 0 : i32
        %scan3A_216 = arith.constant 0 : i32
        %scan3A_217 = arith.constant 40 : i32
        %scan3A_218 = arith.addi %scan3A_216, %scan3A_217 : i32
        %scan3A_219 = arith.constant 2 : i32
        scf.for %scan3A_227 = %scan3A_216 to %scan3A_218 step %scan3A_219  : i32 {
          %get3A = arith.constant 0 : i32
          %get3A_228 = arith.index_cast %get3A : i32 to index
          %get3A_229 = arith.index_cast %scan3A_227 : i32 to index
          %get3A_230 = arith.constant 0 : index
          %get3A_231 = tpu.vector_load %arg18[%get3A_228, %get3A_229, %get3A_230] {strides = array<i32>} : memref<7x40x128xf32, #tpu.memory_space<vmem>>, vector<1x1x16xf32>,
          %get3A_232 = vector.shape_cast %get3A_231 : vector<1x1x16xf32> to vector<16xf32>
          %get3A_233 = arith.constant 1 : i32
          %get3A_234 = arith.index_cast %get3A_233 : i32 to index
          %get3A_235 = arith.index_cast %scan3A_227 : i32 to index
          %get3A_236 = arith.constant 0 : index
          %get3A_237 = tpu.vector_load %arg18[%get3A_234, %get3A_235, %get3A_236] {strides = array<i32>} : memref<7x40x128xf32, #tpu.memory_space<vmem>>, vector<1x1x16xf32>,
          %get3A_238 = vector.shape_cast %get3A_237 : vector<1x1x16xf32> to vector<16xf32>
          %add3A_239 = arith.addf %get3A_232, %get3A_238 : vector<16xf32>
          %get3A_240 = arith.constant 2 : i32
          %get3A_241 = arith.index_cast %get3A_240 : i32 to index
          %get3A_242 = arith.index_cast %scan3A_227 : i32 to index
          %get3A_243 = arith.constant 0 : index
          %get3A_244 = tpu.vector_load %arg18[%get3A_241, %get3A_242, %get3A_243] {strides = array<i32>} : memref<7x40x128xf32, #tpu.memory_space<vmem>>, vector<1x1x16xf32>,
          %get3A_245 = vector.shape_cast %get3A_244 : vector<1x1x16xf32> to vector<16xf32>
          %add3A_246 = arith.addf %add3A_239, %get3A_245 : vector<16xf32>
          %get3A_247 = arith.constant 3 : i32
          %get3A_248 = arith.index_cast %get3A_247 : i32 to index
          %get3A_249 = arith.index_cast %scan3A_227 : i32 to index
          %get3A_250 = arith.constant 0 : index
          %get3A_251 = tpu.vector_load %arg18[%get3A_248, %get3A_249, %get3A_250] {strides = array<i32>} : memref<7x40x128xf32, #tpu.memory_space<vmem>>, vector<1x1x16xf32>,
          %get3A_252 = vector.shape_cast %get3A_251 : vector<1x1x16xf32> to vector<16xf32>
          %add3A_253 = arith.addf %add3A_246, %get3A_252 : vector<16xf32>
          %get3A_254 = arith.constant 4 : i32
          %get3A_255 = arith.index_cast %get3A_254 : i32 to index
          %get3A_256 = arith.index_cast %scan3A_227 : i32 to index
          %get3A_257 = arith.constant 0 : index
          %get3A_258 = tpu.vector_load %arg18[%get3A_255, %get3A_256, %get3A_257] {strides = array<i32>} : memref<7x40x128xf32, #tpu.memory_space<vmem>>, vector<1x1x16xf32>,
          %get3A_259 = vector.shape_cast %get3A_258 : vector<1x1x16xf32> to vector<16xf32>
          %add3A_260 = arith.addf %add3A_253, %get3A_259 : vector<16xf32>
          %get3A_261 = arith.constant 5 : i32
          %get3A_262 = arith.index_cast %get3A_261 : i32 to index
          %get3A_263 = arith.index_cast %scan3A_227 : i32 to index
          %get3A_264 = arith.constant 0 : index
          %get3A_265 = tpu.vector_load %arg18[%get3A_262, %get3A_263, %get3A_264] {strides = array<i32>} : memref<7x40x128xf32, #tpu.memory_space<vmem>>, vector<1x1x16xf32>,
          %get3A_266 = vector.shape_cast %get3A_265 : vector<1x1x16xf32> to vector<16xf32>
          %add3A_267 = arith.addf %add3A_260, %get3A_266 : vector<16xf32>
          %get3A_268 = arith.constant 6 : i32
          %get3A_269 = arith.index_cast %get3A_268 : i32 to index
          %get3A_270 = arith.index_cast %scan3A_227 : i32 to index
          %get3A_271 = arith.constant 0 : index
          %get3A_272 = tpu.vector_load %arg18[%get3A_269, %get3A_270, %get3A_271] {strides = array<i32>} : memref<7x40x128xf32, #tpu.memory_space<vmem>>, vector<1x1x16xf32>,
          %get3A_273 = vector.shape_cast %get3A_272 : vector<1x1x16xf32> to vector<16xf32>
          %add3A_274 = arith.addf %add3A_267, %get3A_273 : vector<16xf32>
          %add3A_275 = arith.addi %rem3A_214, %scan3A_227 : i32
          %get3A_276 = arith.index_cast %add3A_275 : i32 to index
          %get3A_277 = arith.constant 0 : index
          %get3A_278 = tpu.vector_load %arg19[%get3A_276, %get3A_277] {strides = array<i32>} : memref<200x128xf32, #tpu.memory_space<vmem>>, vector<1x16xf32>,
          %get3A_279 = vector.shape_cast %get3A_278 : vector<1x16xf32> to vector<16xf32>
          %add3A_280 = arith.addf %add3A_274, %get3A_279 : vector<16xf32>
          %swap3A = arith.constant 0 : i32
          %swap3A_281 = arith.index_cast %swap3A : i32 to index
          %swap3A_282 = arith.index_cast %scan3A_227 : i32 to index
          %swap3A_283 = arith.constant 0 : index
          %swap3A_284 = tpu.vector_load %arg18[%swap3A_281, %swap3A_282, %swap3A_283] {strides = array<i32>} : memref<7x40x128xf32, #tpu.memory_space<vmem>>, vector<1x1x16xf32>,
          %swap3A_285 = vector.shape_cast %swap3A_284 : vector<1x1x16xf32> to vector<16xf32>
          %swap3A_286 = vector.shape_cast %add3A_280 : vector<16xf32> to vector<1x1x16xf32>
          tpu.vector_store %arg18[%swap3A_281, %swap3A_282, %swap3A_283], %swap3A_286 {strides = array<i32>} : memref<7x40x128xf32, #tpu.memory_space<vmem>>, vector<1x1x16xf32>,
          %get3A_287 = arith.constant 0 : i32
          %get3A_288 = arith.index_cast %get3A_287 : i32 to index
          %get3A_289 = arith.index_cast %scan3A_227 : i32 to index
          %get3A_290 = arith.constant 16 : index
          %get3A_291 = tpu.vector_load %arg18[%get3A_288, %get3A_289, %get3A_290] {strides = array<i32>} : memref<7x40x128xf32, #tpu.memory_space<vmem>>, vector<1x1x16xf32>,
          %get3A_292 = vector.shape_cast %get3A_291 : vector<1x1x16xf32> to vector<16xf32>
          %get3A_293 = arith.constant 1 : i32
          %get3A_294 = arith.index_cast %get3A_293 : i32 to index
          %get3A_295 = arith.index_cast %scan3A_227 : i32 to index
          %get3A_296 = arith.constant 16 : index
          %get3A_297 = tpu.vector_load %arg18[%get3A_294, %get3A_295, %get3A_296] {strides = array<i32>} : memref<7x40x128xf32, #tpu.memory_space<vmem>>, vector<1x1x16xf32>,
          %get3A_298 = vector.shape_cast %get3A_297 : vector<1x1x16xf32> to vector<16xf32>
          %add3A_299 = arith.addf %get3A_292, %get3A_298 : vector<16xf32>
          %get3A_300 = arith.constant 2 : i32
          %get3A_301 = arith.index_cast %get3A_300 : i32 to index
          %get3A_302 = arith.index_cast %scan3A_227 : i32 to index
          %get3A_303 = arith.constant 16 : index
          %get3A_304 = tpu.vector_load %arg18[%get3A_301, %get3A_302, %get3A_303] {strides = array<i32>} : memref<7x40x128xf32, #tpu.memory_space<vmem>>, vector<1x1x16xf32>,
          %get3A_305 = vector.shape_cast %get3A_304 : vector<1x1x16xf32> to vector<16xf32>
          %add3A_306 = arith.addf %add3A_299, %get3A_305 : vector<16xf32>
          %get3A_307 = arith.constant 3 : i32
          %get3A_308 = arith.index_cast %get3A_307 : i32 to index
          %get3A_309 = arith.index_cast %scan3A_227 : i32 to index
          %get3A_310 = arith.constant 16 : index
          %get3A_311 = tpu.vector_load %arg18[%get3A_308, %get3A_309, %get3A_310] {strides = array<i32>} : memref<7x40x128xf32, #tpu.memory_space<vmem>>, vector<1x1x16xf32>,
          %get3A_312 = vector.shape_cast %get3A_311 : vector<1x1x16xf32> to vector<16xf32>
          %add3A_313 = arith.addf %add3A_306, %get3A_312 : vector<16xf32>
          %get3A_314 = arith.constant 4 : i32
          %get3A_315 = arith.index_cast %get3A_314 : i32 to index
          %get3A_316 = arith.index_cast %scan3A_227 : i32 to index
          %get3A_317 = arith.constant 16 : index
          %get3A_318 = tpu.vector_load %arg18[%get3A_315, %get3A_316, %get3A_317] {strides = array<i32>} : memref<7x40x128xf32, #tpu.memory_space<vmem>>, vector<1x1x16xf32>,
          %get3A_319 = vector.shape_cast %get3A_318 : vector<1x1x16xf32> to vector<16xf32>
          %add3A_320 = arith.addf %add3A_313, %get3A_319 : vector<16xf32>
          %get3A_321 = arith.constant 5 : i32
          %get3A_322 = arith.index_cast %get3A_321 : i32 to index
          %get3A_323 = arith.index_cast %scan3A_227 : i32 to index
          %get3A_324 = arith.constant 16 : index
          %get3A_325 = tpu.vector_load %arg18[%get3A_322, %get3A_323, %get3A_324] {strides = array<i32>} : memref<7x40x128xf32, #tpu.memory_space<vmem>>, vector<1x1x16xf32>,
          %get3A_326 = vector.shape_cast %get3A_325 : vector<1x1x16xf32> to vector<16xf32>
          %add3A_327 = arith.addf %add3A_320, %get3A_326 : vector<16xf32>
          %get3A_328 = arith.constant 6 : i32
          %get3A_329 = arith.index_cast %get3A_328 : i32 to index
          %get3A_330 = arith.index_cast %scan3A_227 : i32 to index
          %get3A_331 = arith.constant 16 : index
          %get3A_332 = tpu.vector_load %arg18[%get3A_329, %get3A_330, %get3A_331] {strides = array<i32>} : memref<7x40x128xf32, #tpu.memory_space<vmem>>, vector<1x1x16xf32>,
          %get3A_333 = vector.shape_cast %get3A_332 : vector<1x1x16xf32> to vector<16xf32>
          %add3A_334 = arith.addf %add3A_327, %get3A_333 : vector<16xf32>
          %add3A_335 = arith.addi %rem3A_214, %scan3A_227 : i32
          %get3A_336 = arith.index_cast %add3A_335 : i32 to index
          %get3A_337 = arith.constant 16 : index
          %get3A_338 = tpu.vector_load %arg19[%get3A_336, %get3A_337] {strides = array<i32>} : memref<200x128xf32, #tpu.memory_space<vmem>>, vector<1x16xf32>,
          %get3A_339 = vector.shape_cast %get3A_338 : vector<1x16xf32> to vector<16xf32>
          %add3A_340 = arith.addf %add3A_334, %get3A_339 : vector<16xf32>
          %swap3A_341 = arith.constant 0 : i32
          %swap3A_342 = arith.index_cast %swap3A_341 : i32 to index
          %swap3A_343 = arith.index_cast %scan3A_227 : i32 to index
          %swap3A_344 = arith.constant 16 : index
          %swap3A_345 = tpu.vector_load %arg18[%swap3A_342, %swap3A_343, %swap3A_344] {strides = array<i32>} : memref<7x40x128xf32, #tpu.memory_space<vmem>>, vector<1x1x16xf32>,
          %swap3A_346 = vector.shape_cast %swap3A_345 : vector<1x1x16xf32> to vector<16xf32>
          %swap3A_347 = vector.shape_cast %add3A_340 : vector<16xf32> to vector<1x1x16xf32>
          tpu.vector_store %arg18[%swap3A_342, %swap3A_343, %swap3A_344], %swap3A_347 {strides = array<i32>} : memref<7x40x128xf32, #tpu.memory_space<vmem>>, vector<1x1x16xf32>,
          %get3A_348 = arith.constant 0 : i32
          %get3A_349 = arith.index_cast %get3A_348 : i32 to index
          %get3A_350 = arith.index_cast %scan3A_227 : i32 to index
          %get3A_351 = arith.constant 32 : index
          %get3A_352 = tpu.vector_load %arg18[%get3A_349, %get3A_350, %get3A_351] {strides = array<i32>} : memref<7x40x128xf32, #tpu.memory_space<vmem>>, vector<1x1x16xf32>,
          %get3A_353 = vector.shape_cast %get3A_352 : vector<1x1x16xf32> to vector<16xf32>
          %get3A_354 = arith.constant 1 : i32
          %get3A_355 = arith.index_cast %get3A_354 : i32 to index
          %get3A_356 = arith.index_cast %scan3A_227 : i32 to index
          %get3A_357 = arith.constant 32 : index
          %get3A_358 = tpu.vector_load %arg18[%get3A_355, %get3A_356, %get3A_357] {strides = array<i32>} : memref<7x40x128xf32, #tpu.memory_space<vmem>>, vector<1x1x16xf32>,
          %get3A_359 = vector.shape_cast %get3A_358 : vector<1x1x16xf32> to vector<16xf32>
          %add3A_360 = arith.addf %get3A_353, %get3A_359 : vector<16xf32>
          %get3A_361 = arith.constant 2 : i32
          %get3A_362 = arith.index_cast %get3A_361 : i32 to index
          %get3A_363 = arith.index_cast %scan3A_227 : i32 to index
          %get3A_364 = arith.constant 32 : index
          %get3A_365 = tpu.vector_load %arg18[%get3A_362, %get3A_363, %get3A_364] {strides = array<i32>} : memref<7x40x128xf32, #tpu.memory_space<vmem>>, vector<1x1x16xf32>,
          %get3A_366 = vector.shape_cast %get3A_365 : vector<1x1x16xf32> to vector<16xf32>
          %add3A_367 = arith.addf %add3A_360, %get3A_366 : vector<16xf32>
          %get3A_368 = arith.constant 3 : i32
          %get3A_369 = arith.index_cast %get3A_368 : i32 to index
          %get3A_370 = arith.index_cast %scan3A_227 : i32 to index
          %get3A_371 = arith.constant 32 : index
          %get3A_372 = tpu.vector_load %arg18[%get3A_369, %get3A_370, %get3A_371] {strides = array<i32>} : memref<7x40x128xf32, #tpu.memory_space<vmem>>, vector<1x1x16xf32>,
          %get3A_373 = vector.shape_cast %get3A_372 : vector<1x1x16xf32> to vector<16xf32>
          %add3A_374 = arith.addf %add3A_367, %get3A_373 : vector<16xf32>
          %get3A_375 = arith.constant 4 : i32
          %get3A_376 = arith.index_cast %get3A_375 : i32 to index
          %get3A_377 = arith.index_cast %scan3A_227 : i32 to index
          %get3A_378 = arith.constant 32 : index
          %get3A_379 = tpu.vector_load %arg18[%get3A_376, %get3A_377, %get3A_378] {strides = array<i32>} : memref<7x40x128xf32, #tpu.memory_space<vmem>>, vector<1x1x16xf32>,
          %get3A_380 = vector.shape_cast %get3A_379 : vector<1x1x16xf32> to vector<16xf32>
          %add3A_381 = arith.addf %add3A_374, %get3A_380 : vector<16xf32>
          %get3A_382 = arith.constant 5 : i32
          %get3A_383 = arith.index_cast %get3A_382 : i32 to index
          %get3A_384 = arith.index_cast %scan3A_227 : i32 to index
          %get3A_385 = arith.constant 32 : index
          %get3A_386 = tpu.vector_load %arg18[%get3A_383, %get3A_384, %get3A_385] {strides = array<i32>} : memref<7x40x128xf32, #tpu.memory_space<vmem>>, vector<1x1x16xf32>,
          %get3A_387 = vector.shape_cast %get3A_386 : vector<1x1x16xf32> to vector<16xf32>
          %add3A_388 = arith.addf %add3A_381, %get3A_387 : vector<16xf32>
          %get3A_389 = arith.constant 6 : i32
          %get3A_390 = arith.index_cast %get3A_389 : i32 to index
          %get3A_391 = arith.index_cast %scan3A_227 : i32 to index
          %get3A_392 = arith.constant 32 : index
          %get3A_393 = tpu.vector_load %arg18[%get3A_390, %get3A_391, %get3A_392] {strides = array<i32>} : memref<7x40x128xf32, #tpu.memory_space<vmem>>, vector<1x1x16xf32>,
          %get3A_394 = vector.shape_cast %get3A_393 : vector<1x1x16xf32> to vector<16xf32>
          %add3A_395 = arith.addf %add3A_388, %get3A_394 : vector<16xf32>
          %add3A_396 = arith.addi %rem3A_214, %scan3A_227 : i32
          %get3A_397 = arith.index_cast %add3A_396 : i32 to index
          %get3A_398 = arith.constant 32 : index
          %get3A_399 = tpu.vector_load %arg19[%get3A_397, %get3A_398] {strides = array<i32>} : memref<200x128xf32, #tpu.memory_space<vmem>>, vector<1x16xf32>,
          %get3A_400 = vector.shape_cast %get3A_399 : vector<1x16xf32> to vector<16xf32>
          %add3A_401 = arith.addf %add3A_395, %get3A_400 : vector<16xf32>
          %swap3A_402 = arith.constant 0 : i32
          %swap3A_403 = arith.index_cast %swap3A_402 : i32 to index
          %swap3A_404 = arith.index_cast %scan3A_227 : i32 to index
          %swap3A_405 = arith.constant 32 : index
          %swap3A_406 = tpu.vector_load %arg18[%swap3A_403, %swap3A_404, %swap3A_405] {strides = array<i32>} : memref<7x40x128xf32, #tpu.memory_space<vmem>>, vector<1x1x16xf32>,
          %swap3A_407 = vector.shape_cast %swap3A_406 : vector<1x1x16xf32> to vector<16xf32>
          %swap3A_408 = vector.shape_cast %add3A_401 : vector<16xf32> to vector<1x1x16xf32>
          tpu.vector_store %arg18[%swap3A_403, %swap3A_404, %swap3A_405], %swap3A_408 {strides = array<i32>} : memref<7x40x128xf32, #tpu.memory_space<vmem>>, vector<1x1x16xf32>,
          %get3A_409 = arith.constant 0 : i32
          %get3A_410 = arith.index_cast %get3A_409 : i32 to index
          %get3A_411 = arith.index_cast %scan3A_227 : i32 to index
          %get3A_412 = arith.constant 48 : index
          %get3A_413 = tpu.vector_load %arg18[%get3A_410, %get3A_411, %get3A_412] {strides = array<i32>} : memref<7x40x128xf32, #tpu.memory_space<vmem>>, vector<1x1x16xf32>,
          %get3A_414 = vector.shape_cast %get3A_413 : vector<1x1x16xf32> to vector<16xf32>
          %get3A_415 = arith.constant 1 : i32
          %get3A_416 = arith.index_cast %get3A_415 : i32 to index
          %get3A_417 = arith.index_cast %scan3A_227 : i32 to index
          %get3A_418 = arith.constant 48 : index
          %get3A_419 = tpu.vector_load %arg18[%get3A_416, %get3A_417, %get3A_418] {strides = array<i32>} : memref<7x40x128xf32, #tpu.memory_space<vmem>>, vector<1x1x16xf32>,
          %get3A_420 = vector.shape_cast %get3A_419 : vector<1x1x16xf32> to vector<16xf32>
          %add3A_421 = arith.addf %get3A_414, %get3A_420 : vector<16xf32>
          %get3A_422 = arith.constant 2 : i32
          %get3A_423 = arith.index_cast %get3A_422 : i32 to index
          %get3A_424 = arith.index_cast %scan3A_227 : i32 to index
          %get3A_425 = arith.constant 48 : index
          %get3A_426 = tpu.vector_load %arg18[%get3A_423, %get3A_424, %get3A_425] {strides = array<i32>} : memref<7x40x128xf32, #tpu.memory_space<vmem>>, vector<1x1x16xf32>,
          %get3A_427 = vector.shape_cast %get3A_426 : vector<1x1x16xf32> to vector<16xf32>
          %add3A_428 = arith.addf %add3A_421, %get3A_427 : vector<16xf32>
          %get3A_429 = arith.constant 3 : i32
          %get3A_430 = arith.index_cast %get3A_429 : i32 to index
          %get3A_431 = arith.index_cast %scan3A_227 : i32 to index
          %get3A_432 = arith.constant 48 : index
          %get3A_433 = tpu.vector_load %arg18[%get3A_430, %get3A_431, %get3A_432] {strides = array<i32>} : memref<7x40x128xf32, #tpu.memory_space<vmem>>, vector<1x1x16xf32>,
          %get3A_434 = vector.shape_cast %get3A_433 : vector<1x1x16xf32> to vector<16xf32>
          %add3A_435 = arith.addf %add3A_428, %get3A_434 : vector<16xf32>
          %get3A_436 = arith.constant 4 : i32
          %get3A_437 = arith.index_cast %get3A_436 : i32 to index
          %get3A_438 = arith.index_cast %scan3A_227 : i32 to index
          %get3A_439 = arith.constant 48 : index
          %get3A_440 = tpu.vector_load %arg18[%get3A_437, %get3A_438, %get3A_439] {strides = array<i32>} : memref<7x40x128xf32, #tpu.memory_space<vmem>>, vector<1x1x16xf32>,
          %get3A_441 = vector.shape_cast %get3A_440 : vector<1x1x16xf32> to vector<16xf32>
          %add3A_442 = arith.addf %add3A_435, %get3A_441 : vector<16xf32>
          %get3A_443 = arith.constant 5 : i32
          %get3A_444 = arith.index_cast %get3A_443 : i32 to index
          %get3A_445 = arith.index_cast %scan3A_227 : i32 to index
          %get3A_446 = arith.constant 48 : index
          %get3A_447 = tpu.vector_load %arg18[%get3A_444, %get3A_445, %get3A_446] {strides = array<i32>} : memref<7x40x128xf32, #tpu.memory_space<vmem>>, vector<1x1x16xf32>,
          %get3A_448 = vector.shape_cast %get3A_447 : vector<1x1x16xf32> to vector<16xf32>
          %add3A_449 = arith.addf %add3A_442, %get3A_448 : vector<16xf32>
          %get3A_450 = arith.constant 6 : i32
          %get3A_451 = arith.index_cast %get3A_450 : i32 to index
          %get3A_452 = arith.index_cast %scan3A_227 : i32 to index
          %get3A_453 = arith.constant 48 : index
          %get3A_454 = tpu.vector_load %arg18[%get3A_451, %get3A_452, %get3A_453] {strides = array<i32>} : memref<7x40x128xf32, #tpu.memory_space<vmem>>, vector<1x1x16xf32>,
          %get3A_455 = vector.shape_cast %get3A_454 : vector<1x1x16xf32> to vector<16xf32>
          %add3A_456 = arith.addf %add3A_449, %get3A_455 : vector<16xf32>
          %add3A_457 = arith.addi %rem3A_214, %scan3A_227 : i32
          %get3A_458 = arith.index_cast %add3A_457 : i32 to index
          %get3A_459 = arith.constant 48 : index
          %get3A_460 = tpu.vector_load %arg19[%get3A_458, %get3A_459] {strides = array<i32>} : memref<200x128xf32, #tpu.memory_space<vmem>>, vector<1x16xf32>,
          %get3A_461 = vector.shape_cast %get3A_460 : vector<1x16xf32> to vector<16xf32>
          %add3A_462 = arith.addf %add3A_456, %get3A_461 : vector<16xf32>
          %swap3A_463 = arith.constant 0 : i32
          %swap3A_464 = arith.index_cast %swap3A_463 : i32 to index
          %swap3A_465 = arith.index_cast %scan3A_227 : i32 to index
          %swap3A_466 = arith.constant 48 : index
          %swap3A_467 = tpu.vector_load %arg18[%swap3A_464, %swap3A_465, %swap3A_466] {strides = array<i32>} : memref<7x40x128xf32, #tpu.memory_space<vmem>>, vector<1x1x16xf32>,
          %swap3A_468 = vector.shape_cast %swap3A_467 : vector<1x1x16xf32> to vector<16xf32>
          %swap3A_469 = vector.shape_cast %add3A_462 : vector<16xf32> to vector<1x1x16xf32>
          tpu.vector_store %arg18[%swap3A_464, %swap3A_465, %swap3A_466], %swap3A_469 {strides = array<i32>} : memref<7x40x128xf32, #tpu.memory_space<vmem>>, vector<1x1x16xf32>,
          %get3A_470 = arith.constant 0 : i32
          %get3A_471 = arith.index_cast %get3A_470 : i32 to index
          %get3A_472 = arith.index_cast %scan3A_227 : i32 to index
          %get3A_473 = arith.constant 64 : index
          %get3A_474 = tpu.vector_load %arg18[%get3A_471, %get3A_472, %get3A_473] {strides = array<i32>} : memref<7x40x128xf32, #tpu.memory_space<vmem>>, vector<1x1x16xf32>,
          %get3A_475 = vector.shape_cast %get3A_474 : vector<1x1x16xf32> to vector<16xf32>
          %get3A_476 = arith.constant 1 : i32
          %get3A_477 = arith.index_cast %get3A_476 : i32 to index
          %get3A_478 = arith.index_cast %scan3A_227 : i32 to index
          %get3A_479 = arith.constant 64 : index
          %get3A_480 = tpu.vector_load %arg18[%get3A_477, %get3A_478, %get3A_479] {strides = array<i32>} : memref<7x40x128xf32, #tpu.memory_space<vmem>>, vector<1x1x16xf32>,
          %get3A_481 = vector.shape_cast %get3A_480 : vector<1x1x16xf32> to vector<16xf32>
          %add3A_482 = arith.addf %get3A_475, %get3A_481 : vector<16xf32>
          %get3A_483 = arith.constant 2 : i32
          %get3A_484 = arith.index_cast %get3A_483 : i32 to index
          %get3A_485 = arith.index_cast %scan3A_227 : i32 to index
          %get3A_486 = arith.constant 64 : index
          %get3A_487 = tpu.vector_load %arg18[%get3A_484, %get3A_485, %get3A_486] {strides = array<i32>} : memref<7x40x128xf32, #tpu.memory_space<vmem>>, vector<1x1x16xf32>,
          %get3A_488 = vector.shape_cast %get3A_487 : vector<1x1x16xf32> to vector<16xf32>
          %add3A_489 = arith.addf %add3A_482, %get3A_488 : vector<16xf32>
          %get3A_490 = arith.constant 3 : i32
          %get3A_491 = arith.index_cast %get3A_490 : i32 to index
          %get3A_492 = arith.index_cast %scan3A_227 : i32 to index
          %get3A_493 = arith.constant 64 : index
          %get3A_494 = tpu.vector_load %arg18[%get3A_491, %get3A_492, %get3A_493] {strides = array<i32>} : memref<7x40x128xf32, #tpu.memory_space<vmem>>, vector<1x1x16xf32>,
          %get3A_495 = vector.shape_cast %get3A_494 : vector<1x1x16xf32> to vector<16xf32>
          %add3A_496 = arith.addf %add3A_489, %get3A_495 : vector<16xf32>
          %get3A_497 = arith.constant 4 : i32
          %get3A_498 = arith.index_cast %get3A_497 : i32 to index
          %get3A_499 = arith.index_cast %scan3A_227 : i32 to index
          %get3A_500 = arith.constant 64 : index
          %get3A_501 = tpu.vector_load %arg18[%get3A_498, %get3A_499, %get3A_500] {strides = array<i32>} : memref<7x40x128xf32, #tpu.memory_space<vmem>>, vector<1x1x16xf32>,
          %get3A_502 = vector.shape_cast %get3A_501 : vector<1x1x16xf32> to vector<16xf32>
          %add3A_503 = arith.addf %add3A_496, %get3A_502 : vector<16xf32>
          %get3A_504 = arith.constant 5 : i32
          %get3A_505 = arith.index_cast %get3A_504 : i32 to index
          %get3A_506 = arith.index_cast %scan3A_227 : i32 to index
          %get3A_507 = arith.constant 64 : index
          %get3A_508 = tpu.vector_load %arg18[%get3A_505, %get3A_506, %get3A_507] {strides = array<i32>} : memref<7x40x128xf32, #tpu.memory_space<vmem>>, vector<1x1x16xf32>,
          %get3A_509 = vector.shape_cast %get3A_508 : vector<1x1x16xf32> to vector<16xf32>
          %add3A_510 = arith.addf %add3A_503, %get3A_509 : vector<16xf32>
          %get3A_511 = arith.constant 6 : i32
          %get3A_512 = arith.index_cast %get3A_511 : i32 to index
          %get3A_513 = arith.index_cast %scan3A_227 : i32 to index
          %get3A_514 = arith.constant 64 : index
          %get3A_515 = tpu.vector_load %arg18[%get3A_512, %get3A_513, %get3A_514] {strides = array<i32>} : memref<7x40x128xf32, #tpu.memory_space<vmem>>, vector<1x1x16xf32>,
          %get3A_516 = vector.shape_cast %get3A_515 : vector<1x1x16xf32> to vector<16xf32>
          %add3A_517 = arith.addf %add3A_510, %get3A_516 : vector<16xf32>
          %add3A_518 = arith.addi %rem3A_214, %scan3A_227 : i32
          %get3A_519 = arith.index_cast %add3A_518 : i32 to index
          %get3A_520 = arith.constant 64 : index
          %get3A_521 = tpu.vector_load %arg19[%get3A_519, %get3A_520] {strides = array<i32>} : memref<200x128xf32, #tpu.memory_space<vmem>>, vector<1x16xf32>,
          %get3A_522 = vector.shape_cast %get3A_521 : vector<1x16xf32> to vector<16xf32>
          %add3A_523 = arith.addf %add3A_517, %get3A_522 : vector<16xf32>
          %swap3A_524 = arith.constant 0 : i32
          %swap3A_525 = arith.index_cast %swap3A_524 : i32 to index
          %swap3A_526 = arith.index_cast %scan3A_227 : i32 to index
          %swap3A_527 = arith.constant 64 : index
          %swap3A_528 = tpu.vector_load %arg18[%swap3A_525, %swap3A_526, %swap3A_527] {strides = array<i32>} : memref<7x40x128xf32, #tpu.memory_space<vmem>>, vector<1x1x16xf32>,
          %swap3A_529 = vector.shape_cast %swap3A_528 : vector<1x1x16xf32> to vector<16xf32>
          %swap3A_530 = vector.shape_cast %add3A_523 : vector<16xf32> to vector<1x1x16xf32>
          tpu.vector_store %arg18[%swap3A_525, %swap3A_526, %swap3A_527], %swap3A_530 {strides = array<i32>} : memref<7x40x128xf32, #tpu.memory_space<vmem>>, vector<1x1x16xf32>,
          %get3A_531 = arith.constant 0 : i32
          %get3A_532 = arith.index_cast %get3A_531 : i32 to index
          %get3A_533 = arith.index_cast %scan3A_227 : i32 to index
          %get3A_534 = arith.constant 80 : index
          %get3A_535 = tpu.vector_load %arg18[%get3A_532, %get3A_533, %get3A_534] {strides = array<i32>} : memref<7x40x128xf32, #tpu.memory_space<vmem>>, vector<1x1x16xf32>,
          %get3A_536 = vector.shape_cast %get3A_535 : vector<1x1x16xf32> to vector<16xf32>
          %get3A_537 = arith.constant 1 : i32
          %get3A_538 = arith.index_cast %get3A_537 : i32 to index
          %get3A_539 = arith.index_cast %scan3A_227 : i32 to index
          %get3A_540 = arith.constant 80 : index
          %get3A_541 = tpu.vector_load %arg18[%get3A_538, %get3A_539, %get3A_540] {strides = array<i32>} : memref<7x40x128xf32, #tpu.memory_space<vmem>>, vector<1x1x16xf32>,
          %get3A_542 = vector.shape_cast %get3A_541 : vector<1x1x16xf32> to vector<16xf32>
          %add3A_543 = arith.addf %get3A_536, %get3A_542 : vector<16xf32>
          %get3A_544 = arith.constant 2 : i32
          %get3A_545 = arith.index_cast %get3A_544 : i32 to index
          %get3A_546 = arith.index_cast %scan3A_227 : i32 to index
          %get3A_547 = arith.constant 80 : index
          %get3A_548 = tpu.vector_load %arg18[%get3A_545, %get3A_546, %get3A_547] {strides = array<i32>} : memref<7x40x128xf32, #tpu.memory_space<vmem>>, vector<1x1x16xf32>,
          %get3A_549 = vector.shape_cast %get3A_548 : vector<1x1x16xf32> to vector<16xf32>
          %add3A_550 = arith.addf %add3A_543, %get3A_549 : vector<16xf32>
          %get3A_551 = arith.constant 3 : i32
          %get3A_552 = arith.index_cast %get3A_551 : i32 to index
          %get3A_553 = arith.index_cast %scan3A_227 : i32 to index
          %get3A_554 = arith.constant 80 : index
          %get3A_555 = tpu.vector_load %arg18[%get3A_552, %get3A_553, %get3A_554] {strides = array<i32>} : memref<7x40x128xf32, #tpu.memory_space<vmem>>, vector<1x1x16xf32>,
          %get3A_556 = vector.shape_cast %get3A_555 : vector<1x1x16xf32> to vector<16xf32>
          %add3A_557 = arith.addf %add3A_550, %get3A_556 : vector<16xf32>
          %get3A_558 = arith.constant 4 : i32
          %get3A_559 = arith.index_cast %get3A_558 : i32 to index
          %get3A_560 = arith.index_cast %scan3A_227 : i32 to index
          %get3A_561 = arith.constant 80 : index
          %get3A_562 = tpu.vector_load %arg18[%get3A_559, %get3A_560, %get3A_561] {strides = array<i32>} : memref<7x40x128xf32, #tpu.memory_space<vmem>>, vector<1x1x16xf32>,
          %get3A_563 = vector.shape_cast %get3A_562 : vector<1x1x16xf32> to vector<16xf32>
          %add3A_564 = arith.addf %add3A_557, %get3A_563 : vector<16xf32>
          %get3A_565 = arith.constant 5 : i32
          %get3A_566 = arith.index_cast %get3A_565 : i32 to index
          %get3A_567 = arith.index_cast %scan3A_227 : i32 to index
          %get3A_568 = arith.constant 80 : index
          %get3A_569 = tpu.vector_load %arg18[%get3A_566, %get3A_567, %get3A_568] {strides = array<i32>} : memref<7x40x128xf32, #tpu.memory_space<vmem>>, vector<1x1x16xf32>,
          %get3A_570 = vector.shape_cast %get3A_569 : vector<1x1x16xf32> to vector<16xf32>
          %add3A_571 = arith.addf %add3A_564, %get3A_570 : vector<16xf32>
          %get3A_572 = arith.constant 6 : i32
          %get3A_573 = arith.index_cast %get3A_572 : i32 to index
          %get3A_574 = arith.index_cast %scan3A_227 : i32 to index
          %get3A_575 = arith.constant 80 : index
          %get3A_576 = tpu.vector_load %arg18[%get3A_573, %get3A_574, %get3A_575] {strides = array<i32>} : memref<7x40x128xf32, #tpu.memory_space<vmem>>, vector<1x1x16xf32>,
          %get3A_577 = vector.shape_cast %get3A_576 : vector<1x1x16xf32> to vector<16xf32>
          %add3A_578 = arith.addf %add3A_571, %get3A_577 : vector<16xf32>
          %add3A_579 = arith.addi %rem3A_214, %scan3A_227 : i32
          %get3A_580 = arith.index_cast %add3A_579 : i32 to index
          %get3A_581 = arith.constant 80 : index
          %get3A_582 = tpu.vector_load %arg19[%get3A_580, %get3A_581] {strides = array<i32>} : memref<200x128xf32, #tpu.memory_space<vmem>>, vector<1x16xf32>,
          %get3A_583 = vector.shape_cast %get3A_582 : vector<1x16xf32> to vector<16xf32>
          %add3A_584 = arith.addf %add3A_578, %get3A_583 : vector<16xf32>
          %swap3A_585 = arith.constant 0 : i32
          %swap3A_586 = arith.index_cast %swap3A_585 : i32 to index
          %swap3A_587 = arith.index_cast %scan3A_227 : i32 to index
          %swap3A_588 = arith.constant 80 : index
          %swap3A_589 = tpu.vector_load %arg18[%swap3A_586, %swap3A_587, %swap3A_588] {strides = array<i32>} : memref<7x40x128xf32, #tpu.memory_space<vmem>>, vector<1x1x16xf32>,
          %swap3A_590 = vector.shape_cast %swap3A_589 : vector<1x1x16xf32> to vector<16xf32>
          %swap3A_591 = vector.shape_cast %add3A_584 : vector<16xf32> to vector<1x1x16xf32>
          tpu.vector_store %arg18[%swap3A_586, %swap3A_587, %swap3A_588], %swap3A_591 {strides = array<i32>} : memref<7x40x128xf32, #tpu.memory_space<vmem>>, vector<1x1x16xf32>,
          %get3A_592 = arith.constant 0 : i32
          %get3A_593 = arith.index_cast %get3A_592 : i32 to index
          %get3A_594 = arith.index_cast %scan3A_227 : i32 to index
          %get3A_595 = arith.constant 96 : index
          %get3A_596 = tpu.vector_load %arg18[%get3A_593, %get3A_594, %get3A_595] {strides = array<i32>} : memref<7x40x128xf32, #tpu.memory_space<vmem>>, vector<1x1x16xf32>,
          %get3A_597 = vector.shape_cast %get3A_596 : vector<1x1x16xf32> to vector<16xf32>
          %get3A_598 = arith.constant 1 : i32
          %get3A_599 = arith.index_cast %get3A_598 : i32 to index
          %get3A_600 = arith.index_cast %scan3A_227 : i32 to index
          %get3A_601 = arith.constant 96 : index
          %get3A_602 = tpu.vector_load %arg18[%get3A_599, %get3A_600, %get3A_601] {strides = array<i32>} : memref<7x40x128xf32, #tpu.memory_space<vmem>>, vector<1x1x16xf32>,
          %get3A_603 = vector.shape_cast %get3A_602 : vector<1x1x16xf32> to vector<16xf32>
          %add3A_604 = arith.addf %get3A_597, %get3A_603 : vector<16xf32>
          %get3A_605 = arith.constant 2 : i32
          %get3A_606 = arith.index_cast %get3A_605 : i32 to index
          %get3A_607 = arith.index_cast %scan3A_227 : i32 to index
          %get3A_608 = arith.constant 96 : index
          %get3A_609 = tpu.vector_load %arg18[%get3A_606, %get3A_607, %get3A_608] {strides = array<i32>} : memref<7x40x128xf32, #tpu.memory_space<vmem>>, vector<1x1x16xf32>,
          %get3A_610 = vector.shape_cast %get3A_609 : vector<1x1x16xf32> to vector<16xf32>
          %add3A_611 = arith.addf %add3A_604, %get3A_610 : vector<16xf32>
          %get3A_612 = arith.constant 3 : i32
          %get3A_613 = arith.index_cast %get3A_612 : i32 to index
          %get3A_614 = arith.index_cast %scan3A_227 : i32 to index
          %get3A_615 = arith.constant 96 : index
          %get3A_616 = tpu.vector_load %arg18[%get3A_613, %get3A_614, %get3A_615] {strides = array<i32>} : memref<7x40x128xf32, #tpu.memory_space<vmem>>, vector<1x1x16xf32>,
          %get3A_617 = vector.shape_cast %get3A_616 : vector<1x1x16xf32> to vector<16xf32>
          %add3A_618 = arith.addf %add3A_611, %get3A_617 : vector<16xf32>
          %get3A_619 = arith.constant 4 : i32
          %get3A_620 = arith.index_cast %get3A_619 : i32 to index
          %get3A_621 = arith.index_cast %scan3A_227 : i32 to index
          %get3A_622 = arith.constant 96 : index
          %get3A_623 = tpu.vector_load %arg18[%get3A_620, %get3A_621, %get3A_622] {strides = array<i32>} : memref<7x40x128xf32, #tpu.memory_space<vmem>>, vector<1x1x16xf32>,
          %get3A_624 = vector.shape_cast %get3A_623 : vector<1x1x16xf32> to vector<16xf32>
          %add3A_625 = arith.addf %add3A_618, %get3A_624 : vector<16xf32>
          %get3A_626 = arith.constant 5 : i32
          %get3A_627 = arith.index_cast %get3A_626 : i32 to index
          %get3A_628 = arith.index_cast %scan3A_227 : i32 to index
          %get3A_629 = arith.constant 96 : index
          %get3A_630 = tpu.vector_load %arg18[%get3A_627, %get3A_628, %get3A_629] {strides = array<i32>} : memref<7x40x128xf32, #tpu.memory_space<vmem>>, vector<1x1x16xf32>,
          %get3A_631 = vector.shape_cast %get3A_630 : vector<1x1x16xf32> to vector<16xf32>
          %add3A_632 = arith.addf %add3A_625, %get3A_631 : vector<16xf32>
          %get3A_633 = arith.constant 6 : i32
          %get3A_634 = arith.index_cast %get3A_633 : i32 to index
          %get3A_635 = arith.index_cast %scan3A_227 : i32 to index
          %get3A_636 = arith.constant 96 : index
          %get3A_637 = tpu.vector_load %arg18[%get3A_634, %get3A_635, %get3A_636] {strides = array<i32>} : memref<7x40x128xf32, #tpu.memory_space<vmem>>, vector<1x1x16xf32>,
          %get3A_638 = vector.shape_cast %get3A_637 : vector<1x1x16xf32> to vector<16xf32>
          %add3A_639 = arith.addf %add3A_632, %get3A_638 : vector<16xf32>
          %add3A_640 = arith.addi %rem3A_214, %scan3A_227 : i32
          %get3A_641 = arith.index_cast %add3A_640 : i32 to index
          %get3A_642 = arith.constant 96 : index
          %get3A_643 = tpu.vector_load %arg19[%get3A_641, %get3A_642] {strides = array<i32>} : memref<200x128xf32, #tpu.memory_space<vmem>>, vector<1x16xf32>,
          %get3A_644 = vector.shape_cast %get3A_643 : vector<1x16xf32> to vector<16xf32>
          %add3A_645 = arith.addf %add3A_639, %get3A_644 : vector<16xf32>
          %swap3A_646 = arith.constant 0 : i32
          %swap3A_647 = arith.index_cast %swap3A_646 : i32 to index
          %swap3A_648 = arith.index_cast %scan3A_227 : i32 to index
          %swap3A_649 = arith.constant 96 : index
          %swap3A_650 = tpu.vector_load %arg18[%swap3A_647, %swap3A_648, %swap3A_649] {strides = array<i32>} : memref<7x40x128xf32, #tpu.memory_space<vmem>>, vector<1x1x16xf32>,
          %swap3A_651 = vector.shape_cast %swap3A_650 : vector<1x1x16xf32> to vector<16xf32>
          %swap3A_652 = vector.shape_cast %add3A_645 : vector<16xf32> to vector<1x1x16xf32>
          tpu.vector_store %arg18[%swap3A_647, %swap3A_648, %swap3A_649], %swap3A_652 {strides = array<i32>} : memref<7x40x128xf32, #tpu.memory_space<vmem>>, vector<1x1x16xf32>,
          %get3A_653 = arith.constant 0 : i32
          %get3A_654 = arith.index_cast %get3A_653 : i32 to index
          %get3A_655 = arith.index_cast %scan3A_227 : i32 to index
          %get3A_656 = arith.constant 112 : index
          %get3A_657 = tpu.vector_load %arg18[%get3A_654, %get3A_655, %get3A_656] {strides = array<i32>} : memref<7x40x128xf32, #tpu.memory_space<vmem>>, vector<1x1x16xf32>,
          %get3A_658 = vector.shape_cast %get3A_657 : vector<1x1x16xf32> to vector<16xf32>
          %get3A_659 = arith.constant 1 : i32
          %get3A_660 = arith.index_cast %get3A_659 : i32 to index
          %get3A_661 = arith.index_cast %scan3A_227 : i32 to index
          %get3A_662 = arith.constant 112 : index
          %get3A_663 = tpu.vector_load %arg18[%get3A_660, %get3A_661, %get3A_662] {strides = array<i32>} : memref<7x40x128xf32, #tpu.memory_space<vmem>>, vector<1x1x16xf32>,
          %get3A_664 = vector.shape_cast %get3A_663 : vector<1x1x16xf32> to vector<16xf32>
          %add3A_665 = arith.addf %get3A_658, %get3A_664 : vector<16xf32>
          %get3A_666 = arith.constant 2 : i32
          %get3A_667 = arith.index_cast %get3A_666 : i32 to index
          %get3A_668 = arith.index_cast %scan3A_227 : i32 to index
          %get3A_669 = arith.constant 112 : index
          %get3A_670 = tpu.vector_load %arg18[%get3A_667, %get3A_668, %get3A_669] {strides = array<i32>} : memref<7x40x128xf32, #tpu.memory_space<vmem>>, vector<1x1x16xf32>,
          %get3A_671 = vector.shape_cast %get3A_670 : vector<1x1x16xf32> to vector<16xf32>
          %add3A_672 = arith.addf %add3A_665, %get3A_671 : vector<16xf32>
          %get3A_673 = arith.constant 3 : i32
          %get3A_674 = arith.index_cast %get3A_673 : i32 to index
          %get3A_675 = arith.index_cast %scan3A_227 : i32 to index
          %get3A_676 = arith.constant 112 : index
          %get3A_677 = tpu.vector_load %arg18[%get3A_674, %get3A_675, %get3A_676] {strides = array<i32>} : memref<7x40x128xf32, #tpu.memory_space<vmem>>, vector<1x1x16xf32>,
          %get3A_678 = vector.shape_cast %get3A_677 : vector<1x1x16xf32> to vector<16xf32>
          %add3A_679 = arith.addf %add3A_672, %get3A_678 : vector<16xf32>
          %get3A_680 = arith.constant 4 : i32
          %get3A_681 = arith.index_cast %get3A_680 : i32 to index
          %get3A_682 = arith.index_cast %scan3A_227 : i32 to index
          %get3A_683 = arith.constant 112 : index
          %get3A_684 = tpu.vector_load %arg18[%get3A_681, %get3A_682, %get3A_683] {strides = array<i32>} : memref<7x40x128xf32, #tpu.memory_space<vmem>>, vector<1x1x16xf32>,
          %get3A_685 = vector.shape_cast %get3A_684 : vector<1x1x16xf32> to vector<16xf32>
          %add3A_686 = arith.addf %add3A_679, %get3A_685 : vector<16xf32>
          %get3A_687 = arith.constant 5 : i32
          %get3A_688 = arith.index_cast %get3A_687 : i32 to index
          %get3A_689 = arith.index_cast %scan3A_227 : i32 to index
          %get3A_690 = arith.constant 112 : index
          %get3A_691 = tpu.vector_load %arg18[%get3A_688, %get3A_689, %get3A_690] {strides = array<i32>} : memref<7x40x128xf32, #tpu.memory_space<vmem>>, vector<1x1x16xf32>,
          %get3A_692 = vector.shape_cast %get3A_691 : vector<1x1x16xf32> to vector<16xf32>
          %add3A_693 = arith.addf %add3A_686, %get3A_692 : vector<16xf32>
          %get3A_694 = arith.constant 6 : i32
          %get3A_695 = arith.index_cast %get3A_694 : i32 to index
          %get3A_696 = arith.index_cast %scan3A_227 : i32 to index
          %get3A_697 = arith.constant 112 : index
          %get3A_698 = tpu.vector_load %arg18[%get3A_695, %get3A_696, %get3A_697] {strides = array<i32>} : memref<7x40x128xf32, #tpu.memory_space<vmem>>, vector<1x1x16xf32>,
          %get3A_699 = vector.shape_cast %get3A_698 : vector<1x1x16xf32> to vector<16xf32>
          %add3A_700 = arith.addf %add3A_693, %get3A_699 : vector<16xf32>
          %add3A_701 = arith.addi %rem3A_214, %scan3A_227 : i32
          %get3A_702 = arith.index_cast %add3A_701 : i32 to index
          %get3A_703 = arith.constant 112 : index
          %get3A_704 = tpu.vector_load %arg19[%get3A_702, %get3A_703] {strides = array<i32>} : memref<200x128xf32, #tpu.memory_space<vmem>>, vector<1x16xf32>,
          %get3A_705 = vector.shape_cast %get3A_704 : vector<1x16xf32> to vector<16xf32>
          %add3A_706 = arith.addf %add3A_700, %get3A_705 : vector<16xf32>
          %swap3A_707 = arith.constant 0 : i32
          %swap3A_708 = arith.index_cast %swap3A_707 : i32 to index
          %swap3A_709 = arith.index_cast %scan3A_227 : i32 to index
          %swap3A_710 = arith.constant 112 : index
          %swap3A_711 = tpu.vector_load %arg18[%swap3A_708, %swap3A_709, %swap3A_710] {strides = array<i32>} : memref<7x40x128xf32, #tpu.memory_space<vmem>>, vector<1x1x16xf32>,
          %swap3A_712 = vector.shape_cast %swap3A_711 : vector<1x1x16xf32> to vector<16xf32>
          %swap3A_713 = vector.shape_cast %add3A_706 : vector<16xf32> to vector<1x1x16xf32>
          tpu.vector_store %arg18[%swap3A_708, %swap3A_709, %swap3A_710], %swap3A_713 {strides = array<i32>} : memref<7x40x128xf32, #tpu.memory_space<vmem>>, vector<1x1x16xf32>,
          %scan3A_714 = arith.constant 1 : i32
          %scan3A_715 = arith.addi %scan3A_227, %scan3A_714 : i32
          %get3A_716 = arith.constant 0 : i32
          %get3A_717 = arith.index_cast %get3A_716 : i32 to index
          %get3A_718 = arith.index_cast %scan3A_715 : i32 to index
          %get3A_719 = arith.constant 0 : index
          %get3A_720 = tpu.vector_load %arg18[%get3A_717, %get3A_718, %get3A_719] {strides = array<i32>} : memref<7x40x128xf32, #tpu.memory_space<vmem>>, vector<1x1x16xf32>,
          %get3A_721 = vector.shape_cast %get3A_720 : vector<1x1x16xf32> to vector<16xf32>
          %get3A_722 = arith.constant 1 : i32
          %get3A_723 = arith.index_cast %get3A_722 : i32 to index
          %get3A_724 = arith.index_cast %scan3A_715 : i32 to index
          %get3A_725 = arith.constant 0 : index
          %get3A_726 = tpu.vector_load %arg18[%get3A_723, %get3A_724, %get3A_725] {strides = array<i32>} : memref<7x40x128xf32, #tpu.memory_space<vmem>>, vector<1x1x16xf32>,
          %get3A_727 = vector.shape_cast %get3A_726 : vector<1x1x16xf32> to vector<16xf32>
          %add3A_728 = arith.addf %get3A_721, %get3A_727 : vector<16xf32>
          %get3A_729 = arith.constant 2 : i32
          %get3A_730 = arith.index_cast %get3A_729 : i32 to index
          %get3A_731 = arith.index_cast %scan3A_715 : i32 to index
          %get3A_732 = arith.constant 0 : index
          %get3A_733 = tpu.vector_load %arg18[%get3A_730, %get3A_731, %get3A_732] {strides = array<i32>} : memref<7x40x128xf32, #tpu.memory_space<vmem>>, vector<1x1x16xf32>,
          %get3A_734 = vector.shape_cast %get3A_733 : vector<1x1x16xf32> to vector<16xf32>
          %add3A_735 = arith.addf %add3A_728, %get3A_734 : vector<16xf32>
          %get3A_736 = arith.constant 3 : i32
          %get3A_737 = arith.index_cast %get3A_736 : i32 to index
          %get3A_738 = arith.index_cast %scan3A_715 : i32 to index
          %get3A_739 = arith.constant 0 : index
          %get3A_740 = tpu.vector_load %arg18[%get3A_737, %get3A_738, %get3A_739] {strides = array<i32>} : memref<7x40x128xf32, #tpu.memory_space<vmem>>, vector<1x1x16xf32>,
          %get3A_741 = vector.shape_cast %get3A_740 : vector<1x1x16xf32> to vector<16xf32>
          %add3A_742 = arith.addf %add3A_735, %get3A_741 : vector<16xf32>
          %get3A_743 = arith.constant 4 : i32
          %get3A_744 = arith.index_cast %get3A_743 : i32 to index
          %get3A_745 = arith.index_cast %scan3A_715 : i32 to index
          %get3A_746 = arith.constant 0 : index
          %get3A_747 = tpu.vector_load %arg18[%get3A_744, %get3A_745, %get3A_746] {strides = array<i32>} : memref<7x40x128xf32, #tpu.memory_space<vmem>>, vector<1x1x16xf32>,
          %get3A_748 = vector.shape_cast %get3A_747 : vector<1x1x16xf32> to vector<16xf32>
          %add3A_749 = arith.addf %add3A_742, %get3A_748 : vector<16xf32>
          %get3A_750 = arith.constant 5 : i32
          %get3A_751 = arith.index_cast %get3A_750 : i32 to index
          %get3A_752 = arith.index_cast %scan3A_715 : i32 to index
          %get3A_753 = arith.constant 0 : index
          %get3A_754 = tpu.vector_load %arg18[%get3A_751, %get3A_752, %get3A_753] {strides = array<i32>} : memref<7x40x128xf32, #tpu.memory_space<vmem>>, vector<1x1x16xf32>,
          %get3A_755 = vector.shape_cast %get3A_754 : vector<1x1x16xf32> to vector<16xf32>
          %add3A_756 = arith.addf %add3A_749, %get3A_755 : vector<16xf32>
          %get3A_757 = arith.constant 6 : i32
          %get3A_758 = arith.index_cast %get3A_757 : i32 to index
          %get3A_759 = arith.index_cast %scan3A_715 : i32 to index
          %get3A_760 = arith.constant 0 : index
          %get3A_761 = tpu.vector_load %arg18[%get3A_758, %get3A_759, %get3A_760] {strides = array<i32>} : memref<7x40x128xf32, #tpu.memory_space<vmem>>, vector<1x1x16xf32>,
          %get3A_762 = vector.shape_cast %get3A_761 : vector<1x1x16xf32> to vector<16xf32>
          %add3A_763 = arith.addf %add3A_756, %get3A_762 : vector<16xf32>
          %add3A_764 = arith.addi %rem3A_214, %scan3A_715 : i32
          %get3A_765 = arith.index_cast %add3A_764 : i32 to index
          %get3A_766 = arith.constant 0 : index
          %get3A_767 = tpu.vector_load %arg19[%get3A_765, %get3A_766] {strides = array<i32>} : memref<200x128xf32, #tpu.memory_space<vmem>>, vector<1x16xf32>,
          %get3A_768 = vector.shape_cast %get3A_767 : vector<1x16xf32> to vector<16xf32>
          %add3A_769 = arith.addf %add3A_763, %get3A_768 : vector<16xf32>
          %swap3A_770 = arith.constant 0 : i32
          %swap3A_771 = arith.index_cast %swap3A_770 : i32 to index
          %swap3A_772 = arith.index_cast %scan3A_715 : i32 to index
          %swap3A_773 = arith.constant 0 : index
          %swap3A_774 = tpu.vector_load %arg18[%swap3A_771, %swap3A_772, %swap3A_773] {strides = array<i32>} : memref<7x40x128xf32, #tpu.memory_space<vmem>>, vector<1x1x16xf32>,
          %swap3A_775 = vector.shape_cast %swap3A_774 : vector<1x1x16xf32> to vector<16xf32>
          %swap3A_776 = vector.shape_cast %add3A_769 : vector<16xf32> to vector<1x1x16xf32>
          tpu.vector_store %arg18[%swap3A_771, %swap3A_772, %swap3A_773], %swap3A_776 {strides = array<i32>} : memref<7x40x128xf32, #tpu.memory_space<vmem>>, vector<1x1x16xf32>,
          %get3A_777 = arith.constant 0 : i32
          %get3A_778 = arith.index_cast %get3A_777 : i32 to index
          %get3A_779 = arith.index_cast %scan3A_715 : i32 to index
          %get3A_780 = arith.constant 16 : index
          %get3A_781 = tpu.vector_load %arg18[%get3A_778, %get3A_779, %get3A_780] {strides = array<i32>} : memref<7x40x128xf32, #tpu.memory_space<vmem>>, vector<1x1x16xf32>,
          %get3A_782 = vector.shape_cast %get3A_781 : vector<1x1x16xf32> to vector<16xf32>
          %get3A_783 = arith.constant 1 : i32
          %get3A_784 = arith.index_cast %get3A_783 : i32 to index
          %get3A_785 = arith.index_cast %scan3A_715 : i32 to index
          %get3A_786 = arith.constant 16 : index
          %get3A_787 = tpu.vector_load %arg18[%get3A_784, %get3A_785, %get3A_786] {strides = array<i32>} : memref<7x40x128xf32, #tpu.memory_space<vmem>>, vector<1x1x16xf32>,
          %get3A_788 = vector.shape_cast %get3A_787 : vector<1x1x16xf32> to vector<16xf32>
          %add3A_789 = arith.addf %get3A_782, %get3A_788 : vector<16xf32>
          %get3A_790 = arith.constant 2 : i32
          %get3A_791 = arith.index_cast %get3A_790 : i32 to index
          %get3A_792 = arith.index_cast %scan3A_715 : i32 to index
          %get3A_793 = arith.constant 16 : index
          %get3A_794 = tpu.vector_load %arg18[%get3A_791, %get3A_792, %get3A_793] {strides = array<i32>} : memref<7x40x128xf32, #tpu.memory_space<vmem>>, vector<1x1x16xf32>,
          %get3A_795 = vector.shape_cast %get3A_794 : vector<1x1x16xf32> to vector<16xf32>
          %add3A_796 = arith.addf %add3A_789, %get3A_795 : vector<16xf32>
          %get3A_797 = arith.constant 3 : i32
          %get3A_798 = arith.index_cast %get3A_797 : i32 to index
          %get3A_799 = arith.index_cast %scan3A_715 : i32 to index
          %get3A_800 = arith.constant 16 : index
          %get3A_801 = tpu.vector_load %arg18[%get3A_798, %get3A_799, %get3A_800] {strides = array<i32>} : memref<7x40x128xf32, #tpu.memory_space<vmem>>, vector<1x1x16xf32>,
          %get3A_802 = vector.shape_cast %get3A_801 : vector<1x1x16xf32> to vector<16xf32>
          %add3A_803 = arith.addf %add3A_796, %get3A_802 : vector<16xf32>
          %get3A_804 = arith.constant 4 : i32
          %get3A_805 = arith.index_cast %get3A_804 : i32 to index
          %get3A_806 = arith.index_cast %scan3A_715 : i32 to index
          %get3A_807 = arith.constant 16 : index
          %get3A_808 = tpu.vector_load %arg18[%get3A_805, %get3A_806, %get3A_807] {strides = array<i32>} : memref<7x40x128xf32, #tpu.memory_space<vmem>>, vector<1x1x16xf32>,
          %get3A_809 = vector.shape_cast %get3A_808 : vector<1x1x16xf32> to vector<16xf32>
          %add3A_810 = arith.addf %add3A_803, %get3A_809 : vector<16xf32>
          %get3A_811 = arith.constant 5 : i32
          %get3A_812 = arith.index_cast %get3A_811 : i32 to index
          %get3A_813 = arith.index_cast %scan3A_715 : i32 to index
          %get3A_814 = arith.constant 16 : index
          %get3A_815 = tpu.vector_load %arg18[%get3A_812, %get3A_813, %get3A_814] {strides = array<i32>} : memref<7x40x128xf32, #tpu.memory_space<vmem>>, vector<1x1x16xf32>,
          %get3A_816 = vector.shape_cast %get3A_815 : vector<1x1x16xf32> to vector<16xf32>
          %add3A_817 = arith.addf %add3A_810, %get3A_816 : vector<16xf32>
          %get3A_818 = arith.constant 6 : i32
          %get3A_819 = arith.index_cast %get3A_818 : i32 to index
          %get3A_820 = arith.index_cast %scan3A_715 : i32 to index
          %get3A_821 = arith.constant 16 : index
          %get3A_822 = tpu.vector_load %arg18[%get3A_819, %get3A_820, %get3A_821] {strides = array<i32>} : memref<7x40x128xf32, #tpu.memory_space<vmem>>, vector<1x1x16xf32>,
          %get3A_823 = vector.shape_cast %get3A_822 : vector<1x1x16xf32> to vector<16xf32>
          %add3A_824 = arith.addf %add3A_817, %get3A_823 : vector<16xf32>
          %add3A_825 = arith.addi %rem3A_214, %scan3A_715 : i32
          %get3A_826 = arith.index_cast %add3A_825 : i32 to index
          %get3A_827 = arith.constant 16 : index
          %get3A_828 = tpu.vector_load %arg19[%get3A_826, %get3A_827] {strides = array<i32>} : memref<200x128xf32, #tpu.memory_space<vmem>>, vector<1x16xf32>,
          %get3A_829 = vector.shape_cast %get3A_828 : vector<1x16xf32> to vector<16xf32>
          %add3A_830 = arith.addf %add3A_824, %get3A_829 : vector<16xf32>
          %swap3A_831 = arith.constant 0 : i32
          %swap3A_832 = arith.index_cast %swap3A_831 : i32 to index
          %swap3A_833 = arith.index_cast %scan3A_715 : i32 to index
          %swap3A_834 = arith.constant 16 : index
          %swap3A_835 = tpu.vector_load %arg18[%swap3A_832, %swap3A_833, %swap3A_834] {strides = array<i32>} : memref<7x40x128xf32, #tpu.memory_space<vmem>>, vector<1x1x16xf32>,
          %swap3A_836 = vector.shape_cast %swap3A_835 : vector<1x1x16xf32> to vector<16xf32>
          %swap3A_837 = vector.shape_cast %add3A_830 : vector<16xf32> to vector<1x1x16xf32>
          tpu.vector_store %arg18[%swap3A_832, %swap3A_833, %swap3A_834], %swap3A_837 {strides = array<i32>} : memref<7x40x128xf32, #tpu.memory_space<vmem>>, vector<1x1x16xf32>,
          %get3A_838 = arith.constant 0 : i32
          %get3A_839 = arith.index_cast %get3A_838 : i32 to index
          %get3A_840 = arith.index_cast %scan3A_715 : i32 to index
          %get3A_841 = arith.constant 32 : index
          %get3A_842 = tpu.vector_load %arg18[%get3A_839, %get3A_840, %get3A_841] {strides = array<i32>} : memref<7x40x128xf32, #tpu.memory_space<vmem>>, vector<1x1x16xf32>,
          %get3A_843 = vector.shape_cast %get3A_842 : vector<1x1x16xf32> to vector<16xf32>
          %get3A_844 = arith.constant 1 : i32
          %get3A_845 = arith.index_cast %get3A_844 : i32 to index
          %get3A_846 = arith.index_cast %scan3A_715 : i32 to index
          %get3A_847 = arith.constant 32 : index
          %get3A_848 = tpu.vector_load %arg18[%get3A_845, %get3A_846, %get3A_847] {strides = array<i32>} : memref<7x40x128xf32, #tpu.memory_space<vmem>>, vector<1x1x16xf32>,
          %get3A_849 = vector.shape_cast %get3A_848 : vector<1x1x16xf32> to vector<16xf32>
          %add3A_850 = arith.addf %get3A_843, %get3A_849 : vector<16xf32>
          %get3A_851 = arith.constant 2 : i32
          %get3A_852 = arith.index_cast %get3A_851 : i32 to index
          %get3A_853 = arith.index_cast %scan3A_715 : i32 to index
          %get3A_854 = arith.constant 32 : index
          %get3A_855 = tpu.vector_load %arg18[%get3A_852, %get3A_853, %get3A_854] {strides = array<i32>} : memref<7x40x128xf32, #tpu.memory_space<vmem>>, vector<1x1x16xf32>,
          %get3A_856 = vector.shape_cast %get3A_855 : vector<1x1x16xf32> to vector<16xf32>
          %add3A_857 = arith.addf %add3A_850, %get3A_856 : vector<16xf32>
          %get3A_858 = arith.constant 3 : i32
          %get3A_859 = arith.index_cast %get3A_858 : i32 to index
          %get3A_860 = arith.index_cast %scan3A_715 : i32 to index
          %get3A_861 = arith.constant 32 : index
          %get3A_862 = tpu.vector_load %arg18[%get3A_859, %get3A_860, %get3A_861] {strides = array<i32>} : memref<7x40x128xf32, #tpu.memory_space<vmem>>, vector<1x1x16xf32>,
          %get3A_863 = vector.shape_cast %get3A_862 : vector<1x1x16xf32> to vector<16xf32>
          %add3A_864 = arith.addf %add3A_857, %get3A_863 : vector<16xf32>
          %get3A_865 = arith.constant 4 : i32
          %get3A_866 = arith.index_cast %get3A_865 : i32 to index
          %get3A_867 = arith.index_cast %scan3A_715 : i32 to index
          %get3A_868 = arith.constant 32 : index
          %get3A_869 = tpu.vector_load %arg18[%get3A_866, %get3A_867, %get3A_868] {strides = array<i32>} : memref<7x40x128xf32, #tpu.memory_space<vmem>>, vector<1x1x16xf32>,
          %get3A_870 = vector.shape_cast %get3A_869 : vector<1x1x16xf32> to vector<16xf32>
          %add3A_871 = arith.addf %add3A_864, %get3A_870 : vector<16xf32>
          %get3A_872 = arith.constant 5 : i32
          %get3A_873 = arith.index_cast %get3A_872 : i32 to index
          %get3A_874 = arith.index_cast %scan3A_715 : i32 to index
          %get3A_875 = arith.constant 32 : index
          %get3A_876 = tpu.vector_load %arg18[%get3A_873, %get3A_874, %get3A_875] {strides = array<i32>} : memref<7x40x128xf32, #tpu.memory_space<vmem>>, vector<1x1x16xf32>,
          %get3A_877 = vector.shape_cast %get3A_876 : vector<1x1x16xf32> to vector<16xf32>
          %add3A_878 = arith.addf %add3A_871, %get3A_877 : vector<16xf32>
          %get3A_879 = arith.constant 6 : i32
          %get3A_880 = arith.index_cast %get3A_879 : i32 to index
          %get3A_881 = arith.index_cast %scan3A_715 : i32 to index
          %get3A_882 = arith.constant 32 : index
          %get3A_883 = tpu.vector_load %arg18[%get3A_880, %get3A_881, %get3A_882] {strides = array<i32>} : memref<7x40x128xf32, #tpu.memory_space<vmem>>, vector<1x1x16xf32>,
          %get3A_884 = vector.shape_cast %get3A_883 : vector<1x1x16xf32> to vector<16xf32>
          %add3A_885 = arith.addf %add3A_878, %get3A_884 : vector<16xf32>
          %add3A_886 = arith.addi %rem3A_214, %scan3A_715 : i32
          %get3A_887 = arith.index_cast %add3A_886 : i32 to index
          %get3A_888 = arith.constant 32 : index
          %get3A_889 = tpu.vector_load %arg19[%get3A_887, %get3A_888] {strides = array<i32>} : memref<200x128xf32, #tpu.memory_space<vmem>>, vector<1x16xf32>,
          %get3A_890 = vector.shape_cast %get3A_889 : vector<1x16xf32> to vector<16xf32>
          %add3A_891 = arith.addf %add3A_885, %get3A_890 : vector<16xf32>
          %swap3A_892 = arith.constant 0 : i32
          %swap3A_893 = arith.index_cast %swap3A_892 : i32 to index
          %swap3A_894 = arith.index_cast %scan3A_715 : i32 to index
          %swap3A_895 = arith.constant 32 : index
          %swap3A_896 = tpu.vector_load %arg18[%swap3A_893, %swap3A_894, %swap3A_895] {strides = array<i32>} : memref<7x40x128xf32, #tpu.memory_space<vmem>>, vector<1x1x16xf32>,
          %swap3A_897 = vector.shape_cast %swap3A_896 : vector<1x1x16xf32> to vector<16xf32>
          %swap3A_898 = vector.shape_cast %add3A_891 : vector<16xf32> to vector<1x1x16xf32>
          tpu.vector_store %arg18[%swap3A_893, %swap3A_894, %swap3A_895], %swap3A_898 {strides = array<i32>} : memref<7x40x128xf32, #tpu.memory_space<vmem>>, vector<1x1x16xf32>,
          %get3A_899 = arith.constant 0 : i32
          %get3A_900 = arith.index_cast %get3A_899 : i32 to index
          %get3A_901 = arith.index_cast %scan3A_715 : i32 to index
          %get3A_902 = arith.constant 48 : index
          %get3A_903 = tpu.vector_load %arg18[%get3A_900, %get3A_901, %get3A_902] {strides = array<i32>} : memref<7x40x128xf32, #tpu.memory_space<vmem>>, vector<1x1x16xf32>,
          %get3A_904 = vector.shape_cast %get3A_903 : vector<1x1x16xf32> to vector<16xf32>
          %get3A_905 = arith.constant 1 : i32
          %get3A_906 = arith.index_cast %get3A_905 : i32 to index
          %get3A_907 = arith.index_cast %scan3A_715 : i32 to index
          %get3A_908 = arith.constant 48 : index
          %get3A_909 = tpu.vector_load %arg18[%get3A_906, %get3A_907, %get3A_908] {strides = array<i32>} : memref<7x40x128xf32, #tpu.memory_space<vmem>>, vector<1x1x16xf32>,
          %get3A_910 = vector.shape_cast %get3A_909 : vector<1x1x16xf32> to vector<16xf32>
          %add3A_911 = arith.addf %get3A_904, %get3A_910 : vector<16xf32>
          %get3A_912 = arith.constant 2 : i32
          %get3A_913 = arith.index_cast %get3A_912 : i32 to index
          %get3A_914 = arith.index_cast %scan3A_715 : i32 to index
          %get3A_915 = arith.constant 48 : index
          %get3A_916 = tpu.vector_load %arg18[%get3A_913, %get3A_914, %get3A_915] {strides = array<i32>} : memref<7x40x128xf32, #tpu.memory_space<vmem>>, vector<1x1x16xf32>,
          %get3A_917 = vector.shape_cast %get3A_916 : vector<1x1x16xf32> to vector<16xf32>
          %add3A_918 = arith.addf %add3A_911, %get3A_917 : vector<16xf32>
          %get3A_919 = arith.constant 3 : i32
          %get3A_920 = arith.index_cast %get3A_919 : i32 to index
          %get3A_921 = arith.index_cast %scan3A_715 : i32 to index
          %get3A_922 = arith.constant 48 : index
          %get3A_923 = tpu.vector_load %arg18[%get3A_920, %get3A_921, %get3A_922] {strides = array<i32>} : memref<7x40x128xf32, #tpu.memory_space<vmem>>, vector<1x1x16xf32>,
          %get3A_924 = vector.shape_cast %get3A_923 : vector<1x1x16xf32> to vector<16xf32>
          %add3A_925 = arith.addf %add3A_918, %get3A_924 : vector<16xf32>
          %get3A_926 = arith.constant 4 : i32
          %get3A_927 = arith.index_cast %get3A_926 : i32 to index
          %get3A_928 = arith.index_cast %scan3A_715 : i32 to index
          %get3A_929 = arith.constant 48 : index
          %get3A_930 = tpu.vector_load %arg18[%get3A_927, %get3A_928, %get3A_929] {strides = array<i32>} : memref<7x40x128xf32, #tpu.memory_space<vmem>>, vector<1x1x16xf32>,
          %get3A_931 = vector.shape_cast %get3A_930 : vector<1x1x16xf32> to vector<16xf32>
          %add3A_932 = arith.addf %add3A_925, %get3A_931 : vector<16xf32>
          %get3A_933 = arith.constant 5 : i32
          %get3A_934 = arith.index_cast %get3A_933 : i32 to index
          %get3A_935 = arith.index_cast %scan3A_715 : i32 to index
          %get3A_936 = arith.constant 48 : index
          %get3A_937 = tpu.vector_load %arg18[%get3A_934, %get3A_935, %get3A_936] {strides = array<i32>} : memref<7x40x128xf32, #tpu.memory_space<vmem>>, vector<1x1x16xf32>,
          %get3A_938 = vector.shape_cast %get3A_937 : vector<1x1x16xf32> to vector<16xf32>
          %add3A_939 = arith.addf %add3A_932, %get3A_938 : vector<16xf32>
          %get3A_940 = arith.constant 6 : i32
          %get3A_941 = arith.index_cast %get3A_940 : i32 to index
          %get3A_942 = arith.index_cast %scan3A_715 : i32 to index
          %get3A_943 = arith.constant 48 : index
          %get3A_944 = tpu.vector_load %arg18[%get3A_941, %get3A_942, %get3A_943] {strides = array<i32>} : memref<7x40x128xf32, #tpu.memory_space<vmem>>, vector<1x1x16xf32>,
          %get3A_945 = vector.shape_cast %get3A_944 : vector<1x1x16xf32> to vector<16xf32>
          %add3A_946 = arith.addf %add3A_939, %get3A_945 : vector<16xf32>
          %add3A_947 = arith.addi %rem3A_214, %scan3A_715 : i32
          %get3A_948 = arith.index_cast %add3A_947 : i32 to index
          %get3A_949 = arith.constant 48 : index
          %get3A_950 = tpu.vector_load %arg19[%get3A_948, %get3A_949] {strides = array<i32>} : memref<200x128xf32, #tpu.memory_space<vmem>>, vector<1x16xf32>,
          %get3A_951 = vector.shape_cast %get3A_950 : vector<1x16xf32> to vector<16xf32>
          %add3A_952 = arith.addf %add3A_946, %get3A_951 : vector<16xf32>
          %swap3A_953 = arith.constant 0 : i32
          %swap3A_954 = arith.index_cast %swap3A_953 : i32 to index
          %swap3A_955 = arith.index_cast %scan3A_715 : i32 to index
          %swap3A_956 = arith.constant 48 : index
          %swap3A_957 = tpu.vector_load %arg18[%swap3A_954, %swap3A_955, %swap3A_956] {strides = array<i32>} : memref<7x40x128xf32, #tpu.memory_space<vmem>>, vector<1x1x16xf32>,
          %swap3A_958 = vector.shape_cast %swap3A_957 : vector<1x1x16xf32> to vector<16xf32>
          %swap3A_959 = vector.shape_cast %add3A_952 : vector<16xf32> to vector<1x1x16xf32>
          tpu.vector_store %arg18[%swap3A_954, %swap3A_955, %swap3A_956], %swap3A_959 {strides = array<i32>} : memref<7x40x128xf32, #tpu.memory_space<vmem>>, vector<1x1x16xf32>,
          %get3A_960 = arith.constant 0 : i32
          %get3A_961 = arith.index_cast %get3A_960 : i32 to index
          %get3A_962 = arith.index_cast %scan3A_715 : i32 to index
          %get3A_963 = arith.constant 64 : index
          %get3A_964 = tpu.vector_load %arg18[%get3A_961, %get3A_962, %get3A_963] {strides = array<i32>} : memref<7x40x128xf32, #tpu.memory_space<vmem>>, vector<1x1x16xf32>,
          %get3A_965 = vector.shape_cast %get3A_964 : vector<1x1x16xf32> to vector<16xf32>
          %get3A_966 = arith.constant 1 : i32
          %get3A_967 = arith.index_cast %get3A_966 : i32 to index
          %get3A_968 = arith.index_cast %scan3A_715 : i32 to index
          %get3A_969 = arith.constant 64 : index
          %get3A_970 = tpu.vector_load %arg18[%get3A_967, %get3A_968, %get3A_969] {strides = array<i32>} : memref<7x40x128xf32, #tpu.memory_space<vmem>>, vector<1x1x16xf32>,
          %get3A_971 = vector.shape_cast %get3A_970 : vector<1x1x16xf32> to vector<16xf32>
          %add3A_972 = arith.addf %get3A_965, %get3A_971 : vector<16xf32>
          %get3A_973 = arith.constant 2 : i32
          %get3A_974 = arith.index_cast %get3A_973 : i32 to index
          %get3A_975 = arith.index_cast %scan3A_715 : i32 to index
          %get3A_976 = arith.constant 64 : index
          %get3A_977 = tpu.vector_load %arg18[%get3A_974, %get3A_975, %get3A_976] {strides = array<i32>} : memref<7x40x128xf32, #tpu.memory_space<vmem>>, vector<1x1x16xf32>,
          %get3A_978 = vector.shape_cast %get3A_977 : vector<1x1x16xf32> to vector<16xf32>
          %add3A_979 = arith.addf %add3A_972, %get3A_978 : vector<16xf32>
          %get3A_980 = arith.constant 3 : i32
          %get3A_981 = arith.index_cast %get3A_980 : i32 to index
          %get3A_982 = arith.index_cast %scan3A_715 : i32 to index
          %get3A_983 = arith.constant 64 : index
          %get3A_984 = tpu.vector_load %arg18[%get3A_981, %get3A_982, %get3A_983] {strides = array<i32>} : memref<7x40x128xf32, #tpu.memory_space<vmem>>, vector<1x1x16xf32>,
          %get3A_985 = vector.shape_cast %get3A_984 : vector<1x1x16xf32> to vector<16xf32>
          %add3A_986 = arith.addf %add3A_979, %get3A_985 : vector<16xf32>
          %get3A_987 = arith.constant 4 : i32
          %get3A_988 = arith.index_cast %get3A_987 : i32 to index
          %get3A_989 = arith.index_cast %scan3A_715 : i32 to index
          %get3A_990 = arith.constant 64 : index
          %get3A_991 = tpu.vector_load %arg18[%get3A_988, %get3A_989, %get3A_990] {strides = array<i32>} : memref<7x40x128xf32, #tpu.memory_space<vmem>>, vector<1x1x16xf32>,
          %get3A_992 = vector.shape_cast %get3A_991 : vector<1x1x16xf32> to vector<16xf32>
          %add3A_993 = arith.addf %add3A_986, %get3A_992 : vector<16xf32>
          %get3A_994 = arith.constant 5 : i32
          %get3A_995 = arith.index_cast %get3A_994 : i32 to index
          %get3A_996 = arith.index_cast %scan3A_715 : i32 to index
          %get3A_997 = arith.constant 64 : index
          %get3A_998 = tpu.vector_load %arg18[%get3A_995, %get3A_996, %get3A_997] {strides = array<i32>} : memref<7x40x128xf32, #tpu.memory_space<vmem>>, vector<1x1x16xf32>,
          %get3A_999 = vector.shape_cast %get3A_998 : vector<1x1x16xf32> to vector<16xf32>
          %add3A_1000 = arith.addf %add3A_993, %get3A_999 : vector<16xf32>
          %get3A_1001 = arith.constant 6 : i32
          %get3A_1002 = arith.index_cast %get3A_1001 : i32 to index
          %get3A_1003 = arith.index_cast %scan3A_715 : i32 to index
          %get3A_1004 = arith.constant 64 : index
          %get3A_1005 = tpu.vector_load %arg18[%get3A_1002, %get3A_1003, %get3A_1004] {strides = array<i32>} : memref<7x40x128xf32, #tpu.memory_space<vmem>>, vector<1x1x16xf32>,
          %get3A_1006 = vector.shape_cast %get3A_1005 : vector<1x1x16xf32> to vector<16xf32>
          %add3A_1007 = arith.addf %add3A_1000, %get3A_1006 : vector<16xf32>
          %add3A_1008 = arith.addi %rem3A_214, %scan3A_715 : i32
          %get3A_1009 = arith.index_cast %add3A_1008 : i32 to index
          %get3A_1010 = arith.constant 64 : index
          %get3A_1011 = tpu.vector_load %arg19[%get3A_1009, %get3A_1010] {strides = array<i32>} : memref<200x128xf32, #tpu.memory_space<vmem>>, vector<1x16xf32>,
          %get3A_1012 = vector.shape_cast %get3A_1011 : vector<1x16xf32> to vector<16xf32>
          %add3A_1013 = arith.addf %add3A_1007, %get3A_1012 : vector<16xf32>
          %swap3A_1014 = arith.constant 0 : i32
          %swap3A_1015 = arith.index_cast %swap3A_1014 : i32 to index
          %swap3A_1016 = arith.index_cast %scan3A_715 : i32 to index
          %swap3A_1017 = arith.constant 64 : index
          %swap3A_1018 = tpu.vector_load %arg18[%swap3A_1015, %swap3A_1016, %swap3A_1017] {strides = array<i32>} : memref<7x40x128xf32, #tpu.memory_space<vmem>>, vector<1x1x16xf32>,
          %swap3A_1019 = vector.shape_cast %swap3A_1018 : vector<1x1x16xf32> to vector<16xf32>
          %swap3A_1020 = vector.shape_cast %add3A_1013 : vector<16xf32> to vector<1x1x16xf32>
          tpu.vector_store %arg18[%swap3A_1015, %swap3A_1016, %swap3A_1017], %swap3A_1020 {strides = array<i32>} : memref<7x40x128xf32, #tpu.memory_space<vmem>>, vector<1x1x16xf32>,
          %get3A_1021 = arith.constant 0 : i32
          %get3A_1022 = arith.index_cast %get3A_1021 : i32 to index
          %get3A_1023 = arith.index_cast %scan3A_715 : i32 to index
          %get3A_1024 = arith.constant 80 : index
          %get3A_1025 = tpu.vector_load %arg18[%get3A_1022, %get3A_1023, %get3A_1024] {strides = array<i32>} : memref<7x40x128xf32, #tpu.memory_space<vmem>>, vector<1x1x16xf32>,
          %get3A_1026 = vector.shape_cast %get3A_1025 : vector<1x1x16xf32> to vector<16xf32>
          %get3A_1027 = arith.constant 1 : i32
          %get3A_1028 = arith.index_cast %get3A_1027 : i32 to index
          %get3A_1029 = arith.index_cast %scan3A_715 : i32 to index
          %get3A_1030 = arith.constant 80 : index
          %get3A_1031 = tpu.vector_load %arg18[%get3A_1028, %get3A_1029, %get3A_1030] {strides = array<i32>} : memref<7x40x128xf32, #tpu.memory_space<vmem>>, vector<1x1x16xf32>,
          %get3A_1032 = vector.shape_cast %get3A_1031 : vector<1x1x16xf32> to vector<16xf32>
          %add3A_1033 = arith.addf %get3A_1026, %get3A_1032 : vector<16xf32>
          %get3A_1034 = arith.constant 2 : i32
          %get3A_1035 = arith.index_cast %get3A_1034 : i32 to index
          %get3A_1036 = arith.index_cast %scan3A_715 : i32 to index
          %get3A_1037 = arith.constant 80 : index
          %get3A_1038 = tpu.vector_load %arg18[%get3A_1035, %get3A_1036, %get3A_1037] {strides = array<i32>} : memref<7x40x128xf32, #tpu.memory_space<vmem>>, vector<1x1x16xf32>,
          %get3A_1039 = vector.shape_cast %get3A_1038 : vector<1x1x16xf32> to vector<16xf32>
          %add3A_1040 = arith.addf %add3A_1033, %get3A_1039 : vector<16xf32>
          %get3A_1041 = arith.constant 3 : i32
          %get3A_1042 = arith.index_cast %get3A_1041 : i32 to index
          %get3A_1043 = arith.index_cast %scan3A_715 : i32 to index
          %get3A_1044 = arith.constant 80 : index
          %get3A_1045 = tpu.vector_load %arg18[%get3A_1042, %get3A_1043, %get3A_1044] {strides = array<i32>} : memref<7x40x128xf32, #tpu.memory_space<vmem>>, vector<1x1x16xf32>,
          %get3A_1046 = vector.shape_cast %get3A_1045 : vector<1x1x16xf32> to vector<16xf32>
          %add3A_1047 = arith.addf %add3A_1040, %get3A_1046 : vector<16xf32>
          %get3A_1048 = arith.constant 4 : i32
          %get3A_1049 = arith.index_cast %get3A_1048 : i32 to index
          %get3A_1050 = arith.index_cast %scan3A_715 : i32 to index
          %get3A_1051 = arith.constant 80 : index
          %get3A_1052 = tpu.vector_load %arg18[%get3A_1049, %get3A_1050, %get3A_1051] {strides = array<i32>} : memref<7x40x128xf32, #tpu.memory_space<vmem>>, vector<1x1x16xf32>,
          %get3A_1053 = vector.shape_cast %get3A_1052 : vector<1x1x16xf32> to vector<16xf32>
          %add3A_1054 = arith.addf %add3A_1047, %get3A_1053 : vector<16xf32>
          %get3A_1055 = arith.constant 5 : i32
          %get3A_1056 = arith.index_cast %get3A_1055 : i32 to index
          %get3A_1057 = arith.index_cast %scan3A_715 : i32 to index
          %get3A_1058 = arith.constant 80 : index
          %get3A_1059 = tpu.vector_load %arg18[%get3A_1056, %get3A_1057, %get3A_1058] {strides = array<i32>} : memref<7x40x128xf32, #tpu.memory_space<vmem>>, vector<1x1x16xf32>,
          %get3A_1060 = vector.shape_cast %get3A_1059 : vector<1x1x16xf32> to vector<16xf32>
          %add3A_1061 = arith.addf %add3A_1054, %get3A_1060 : vector<16xf32>
          %get3A_1062 = arith.constant 6 : i32
          %get3A_1063 = arith.index_cast %get3A_1062 : i32 to index
          %get3A_1064 = arith.index_cast %scan3A_715 : i32 to index
          %get3A_1065 = arith.constant 80 : index
          %get3A_1066 = tpu.vector_load %arg18[%get3A_1063, %get3A_1064, %get3A_1065] {strides = array<i32>} : memref<7x40x128xf32, #tpu.memory_space<vmem>>, vector<1x1x16xf32>,
          %get3A_1067 = vector.shape_cast %get3A_1066 : vector<1x1x16xf32> to vector<16xf32>
          %add3A_1068 = arith.addf %add3A_1061, %get3A_1067 : vector<16xf32>
          %add3A_1069 = arith.addi %rem3A_214, %scan3A_715 : i32
          %get3A_1070 = arith.index_cast %add3A_1069 : i32 to index
          %get3A_1071 = arith.constant 80 : index
          %get3A_1072 = tpu.vector_load %arg19[%get3A_1070, %get3A_1071] {strides = array<i32>} : memref<200x128xf32, #tpu.memory_space<vmem>>, vector<1x16xf32>,
          %get3A_1073 = vector.shape_cast %get3A_1072 : vector<1x16xf32> to vector<16xf32>
          %add3A_1074 = arith.addf %add3A_1068, %get3A_1073 : vector<16xf32>
          %swap3A_1075 = arith.constant 0 : i32
          %swap3A_1076 = arith.index_cast %swap3A_1075 : i32 to index
          %swap3A_1077 = arith.index_cast %scan3A_715 : i32 to index
          %swap3A_1078 = arith.constant 80 : index
          %swap3A_1079 = tpu.vector_load %arg18[%swap3A_1076, %swap3A_1077, %swap3A_1078] {strides = array<i32>} : memref<7x40x128xf32, #tpu.memory_space<vmem>>, vector<1x1x16xf32>,
          %swap3A_1080 = vector.shape_cast %swap3A_1079 : vector<1x1x16xf32> to vector<16xf32>
          %swap3A_1081 = vector.shape_cast %add3A_1074 : vector<16xf32> to vector<1x1x16xf32>
          tpu.vector_store %arg18[%swap3A_1076, %swap3A_1077, %swap3A_1078], %swap3A_1081 {strides = array<i32>} : memref<7x40x128xf32, #tpu.memory_space<vmem>>, vector<1x1x16xf32>,
          %get3A_1082 = arith.constant 0 : i32
          %get3A_1083 = arith.index_cast %get3A_1082 : i32 to index
          %get3A_1084 = arith.index_cast %scan3A_715 : i32 to index
          %get3A_1085 = arith.constant 96 : index
          %get3A_1086 = tpu.vector_load %arg18[%get3A_1083, %get3A_1084, %get3A_1085] {strides = array<i32>} : memref<7x40x128xf32, #tpu.memory_space<vmem>>, vector<1x1x16xf32>,
          %get3A_1087 = vector.shape_cast %get3A_1086 : vector<1x1x16xf32> to vector<16xf32>
          %get3A_1088 = arith.constant 1 : i32
          %get3A_1089 = arith.index_cast %get3A_1088 : i32 to index
          %get3A_1090 = arith.index_cast %scan3A_715 : i32 to index
          %get3A_1091 = arith.constant 96 : index
          %get3A_1092 = tpu.vector_load %arg18[%get3A_1089, %get3A_1090, %get3A_1091] {strides = array<i32>} : memref<7x40x128xf32, #tpu.memory_space<vmem>>, vector<1x1x16xf32>,
          %get3A_1093 = vector.shape_cast %get3A_1092 : vector<1x1x16xf32> to vector<16xf32>
          %add3A_1094 = arith.addf %get3A_1087, %get3A_1093 : vector<16xf32>
          %get3A_1095 = arith.constant 2 : i32
          %get3A_1096 = arith.index_cast %get3A_1095 : i32 to index
          %get3A_1097 = arith.index_cast %scan3A_715 : i32 to index
          %get3A_1098 = arith.constant 96 : index
          %get3A_1099 = tpu.vector_load %arg18[%get3A_1096, %get3A_1097, %get3A_1098] {strides = array<i32>} : memref<7x40x128xf32, #tpu.memory_space<vmem>>, vector<1x1x16xf32>,
          %get3A_1100 = vector.shape_cast %get3A_1099 : vector<1x1x16xf32> to vector<16xf32>
          %add3A_1101 = arith.addf %add3A_1094, %get3A_1100 : vector<16xf32>
          %get3A_1102 = arith.constant 3 : i32
          %get3A_1103 = arith.index_cast %get3A_1102 : i32 to index
          %get3A_1104 = arith.index_cast %scan3A_715 : i32 to index
          %get3A_1105 = arith.constant 96 : index
          %get3A_1106 = tpu.vector_load %arg18[%get3A_1103, %get3A_1104, %get3A_1105] {strides = array<i32>} : memref<7x40x128xf32, #tpu.memory_space<vmem>>, vector<1x1x16xf32>,
          %get3A_1107 = vector.shape_cast %get3A_1106 : vector<1x1x16xf32> to vector<16xf32>
          %add3A_1108 = arith.addf %add3A_1101, %get3A_1107 : vector<16xf32>
          %get3A_1109 = arith.constant 4 : i32
          %get3A_1110 = arith.index_cast %get3A_1109 : i32 to index
          %get3A_1111 = arith.index_cast %scan3A_715 : i32 to index
          %get3A_1112 = arith.constant 96 : index
          %get3A_1113 = tpu.vector_load %arg18[%get3A_1110, %get3A_1111, %get3A_1112] {strides = array<i32>} : memref<7x40x128xf32, #tpu.memory_space<vmem>>, vector<1x1x16xf32>,
          %get3A_1114 = vector.shape_cast %get3A_1113 : vector<1x1x16xf32> to vector<16xf32>
          %add3A_1115 = arith.addf %add3A_1108, %get3A_1114 : vector<16xf32>
          %get3A_1116 = arith.constant 5 : i32
          %get3A_1117 = arith.index_cast %get3A_1116 : i32 to index
          %get3A_1118 = arith.index_cast %scan3A_715 : i32 to index
          %get3A_1119 = arith.constant 96 : index
          %get3A_1120 = tpu.vector_load %arg18[%get3A_1117, %get3A_1118, %get3A_1119] {strides = array<i32>} : memref<7x40x128xf32, #tpu.memory_space<vmem>>, vector<1x1x16xf32>,
          %get3A_1121 = vector.shape_cast %get3A_1120 : vector<1x1x16xf32> to vector<16xf32>
          %add3A_1122 = arith.addf %add3A_1115, %get3A_1121 : vector<16xf32>
          %get3A_1123 = arith.constant 6 : i32
          %get3A_1124 = arith.index_cast %get3A_1123 : i32 to index
          %get3A_1125 = arith.index_cast %scan3A_715 : i32 to index
          %get3A_1126 = arith.constant 96 : index
          %get3A_1127 = tpu.vector_load %arg18[%get3A_1124, %get3A_1125, %get3A_1126] {strides = array<i32>} : memref<7x40x128xf32, #tpu.memory_space<vmem>>, vector<1x1x16xf32>,
          %get3A_1128 = vector.shape_cast %get3A_1127 : vector<1x1x16xf32> to vector<16xf32>
          %add3A_1129 = arith.addf %add3A_1122, %get3A_1128 : vector<16xf32>
          %add3A_1130 = arith.addi %rem3A_214, %scan3A_715 : i32
          %get3A_1131 = arith.index_cast %add3A_1130 : i32 to index
          %get3A_1132 = arith.constant 96 : index
          %get3A_1133 = tpu.vector_load %arg19[%get3A_1131, %get3A_1132] {strides = array<i32>} : memref<200x128xf32, #tpu.memory_space<vmem>>, vector<1x16xf32>,
          %get3A_1134 = vector.shape_cast %get3A_1133 : vector<1x16xf32> to vector<16xf32>
          %add3A_1135 = arith.addf %add3A_1129, %get3A_1134 : vector<16xf32>
          %swap3A_1136 = arith.constant 0 : i32
          %swap3A_1137 = arith.index_cast %swap3A_1136 : i32 to index
          %swap3A_1138 = arith.index_cast %scan3A_715 : i32 to index
          %swap3A_1139 = arith.constant 96 : index
          %swap3A_1140 = tpu.vector_load %arg18[%swap3A_1137, %swap3A_1138, %swap3A_1139] {strides = array<i32>} : memref<7x40x128xf32, #tpu.memory_space<vmem>>, vector<1x1x16xf32>,
          %swap3A_1141 = vector.shape_cast %swap3A_1140 : vector<1x1x16xf32> to vector<16xf32>
          %swap3A_1142 = vector.shape_cast %add3A_1135 : vector<16xf32> to vector<1x1x16xf32>
          tpu.vector_store %arg18[%swap3A_1137, %swap3A_1138, %swap3A_1139], %swap3A_1142 {strides = array<i32>} : memref<7x40x128xf32, #tpu.memory_space<vmem>>, vector<1x1x16xf32>,
          %get3A_1143 = arith.constant 0 : i32
          %get3A_1144 = arith.index_cast %get3A_1143 : i32 to index
          %get3A_1145 = arith.index_cast %scan3A_715 : i32 to index
          %get3A_1146 = arith.constant 112 : index
          %get3A_1147 = tpu.vector_load %arg18[%get3A_1144, %get3A_1145, %get3A_1146] {strides = array<i32>} : memref<7x40x128xf32, #tpu.memory_space<vmem>>, vector<1x1x16xf32>,
          %get3A_1148 = vector.shape_cast %get3A_1147 : vector<1x1x16xf32> to vector<16xf32>
          %get3A_1149 = arith.constant 1 : i32
          %get3A_1150 = arith.index_cast %get3A_1149 : i32 to index
          %get3A_1151 = arith.index_cast %scan3A_715 : i32 to index
          %get3A_1152 = arith.constant 112 : index
          %get3A_1153 = tpu.vector_load %arg18[%get3A_1150, %get3A_1151, %get3A_1152] {strides = array<i32>} : memref<7x40x128xf32, #tpu.memory_space<vmem>>, vector<1x1x16xf32>,
          %get3A_1154 = vector.shape_cast %get3A_1153 : vector<1x1x16xf32> to vector<16xf32>
          %add3A_1155 = arith.addf %get3A_1148, %get3A_1154 : vector<16xf32>
          %get3A_1156 = arith.constant 2 : i32
          %get3A_1157 = arith.index_cast %get3A_1156 : i32 to index
          %get3A_1158 = arith.index_cast %scan3A_715 : i32 to index
          %get3A_1159 = arith.constant 112 : index
          %get3A_1160 = tpu.vector_load %arg18[%get3A_1157, %get3A_1158, %get3A_1159] {strides = array<i32>} : memref<7x40x128xf32, #tpu.memory_space<vmem>>, vector<1x1x16xf32>,
          %get3A_1161 = vector.shape_cast %get3A_1160 : vector<1x1x16xf32> to vector<16xf32>
          %add3A_1162 = arith.addf %add3A_1155, %get3A_1161 : vector<16xf32>
          %get3A_1163 = arith.constant 3 : i32
          %get3A_1164 = arith.index_cast %get3A_1163 : i32 to index
          %get3A_1165 = arith.index_cast %scan3A_715 : i32 to index
          %get3A_1166 = arith.constant 112 : index
          %get3A_1167 = tpu.vector_load %arg18[%get3A_1164, %get3A_1165, %get3A_1166] {strides = array<i32>} : memref<7x40x128xf32, #tpu.memory_space<vmem>>, vector<1x1x16xf32>,
          %get3A_1168 = vector.shape_cast %get3A_1167 : vector<1x1x16xf32> to vector<16xf32>
          %add3A_1169 = arith.addf %add3A_1162, %get3A_1168 : vector<16xf32>
          %get3A_1170 = arith.constant 4 : i32
          %get3A_1171 = arith.index_cast %get3A_1170 : i32 to index
          %get3A_1172 = arith.index_cast %scan3A_715 : i32 to index
          %get3A_1173 = arith.constant 112 : index
          %get3A_1174 = tpu.vector_load %arg18[%get3A_1171, %get3A_1172, %get3A_1173] {strides = array<i32>} : memref<7x40x128xf32, #tpu.memory_space<vmem>>, vector<1x1x16xf32>,
          %get3A_1175 = vector.shape_cast %get3A_1174 : vector<1x1x16xf32> to vector<16xf32>
          %add3A_1176 = arith.addf %add3A_1169, %get3A_1175 : vector<16xf32>
          %get3A_1177 = arith.constant 5 : i32
          %get3A_1178 = arith.index_cast %get3A_1177 : i32 to index
          %get3A_1179 = arith.index_cast %scan3A_715 : i32 to index
          %get3A_1180 = arith.constant 112 : index
          %get3A_1181 = tpu.vector_load %arg18[%get3A_1178, %get3A_1179, %get3A_1180] {strides = array<i32>} : memref<7x40x128xf32, #tpu.memory_space<vmem>>, vector<1x1x16xf32>,
          %get3A_1182 = vector.shape_cast %get3A_1181 : vector<1x1x16xf32> to vector<16xf32>
          %add3A_1183 = arith.addf %add3A_1176, %get3A_1182 : vector<16xf32>
          %get3A_1184 = arith.constant 6 : i32
          %get3A_1185 = arith.index_cast %get3A_1184 : i32 to index
          %get3A_1186 = arith.index_cast %scan3A_715 : i32 to index
          %get3A_1187 = arith.constant 112 : index
          %get3A_1188 = tpu.vector_load %arg18[%get3A_1185, %get3A_1186, %get3A_1187] {strides = array<i32>} : memref<7x40x128xf32, #tpu.memory_space<vmem>>, vector<1x1x16xf32>,
          %get3A_1189 = vector.shape_cast %get3A_1188 : vector<1x1x16xf32> to vector<16xf32>
          %add3A_1190 = arith.addf %add3A_1183, %get3A_1189 : vector<16xf32>
          %add3A_1191 = arith.addi %rem3A_214, %scan3A_715 : i32
          %get3A_1192 = arith.index_cast %add3A_1191 : i32 to index
          %get3A_1193 = arith.constant 112 : index
          %get3A_1194 = tpu.vector_load %arg19[%get3A_1192, %get3A_1193] {strides = array<i32>} : memref<200x128xf32, #tpu.memory_space<vmem>>, vector<1x16xf32>,
          %get3A_1195 = vector.shape_cast %get3A_1194 : vector<1x16xf32> to vector<16xf32>
          %add3A_1196 = arith.addf %add3A_1190, %get3A_1195 : vector<16xf32>
          %swap3A_1197 = arith.constant 0 : i32
          %swap3A_1198 = arith.index_cast %swap3A_1197 : i32 to index
          %swap3A_1199 = arith.index_cast %scan3A_715 : i32 to index
          %swap3A_1200 = arith.constant 112 : index
          %swap3A_1201 = tpu.vector_load %arg18[%swap3A_1198, %swap3A_1199, %swap3A_1200] {strides = array<i32>} : memref<7x40x128xf32, #tpu.memory_space<vmem>>, vector<1x1x16xf32>,
          %swap3A_1202 = vector.shape_cast %swap3A_1201 : vector<1x1x16xf32> to vector<16xf32>
          %swap3A_1203 = vector.shape_cast %add3A_1196 : vector<16xf32> to vector<1x1x16xf32>
          tpu.vector_store %arg18[%swap3A_1198, %swap3A_1199, %swap3A_1200], %swap3A_1203 {strides = array<i32>} : memref<7x40x128xf32, #tpu.memory_space<vmem>>, vector<1x1x16xf32>,
        }
        %scan3A_220 = arith.constant 40 : i32
        %mul3A_221 = arith.constant 160 : i32
        %mul3A_222 = arith.muli %add3A, %mul3A_221 : i32
        %add3A_223 = arith.addi %mul3A_222, %add3A_45 : i32
        %mul3A_224 = arith.constant 40 : i32
        %mul3A_225 = arith.muli %add3A_223, %mul3A_224 : i32
        %run_scoped3A_226 = arith.constant 0 : i32
        "tpu.region"() ({
          %run_scoped3A_227 = tpu.sem_alloc : memref<!tpu.dma_semaphore, #tpu.memory_space<semaphore_mem>>
          %dma_start3A_228 = arith.constant 0 : i32
          %dma_start3A_229 = arith.constant 0 : i32
          %dma_start3A_230 = tpu.memref_slice %arg18[%run_scoped3A_226, %dma_start3A_228, %dma_start3A_229] : memref<7x40x128xf32, #tpu.memory_space<vmem>> -> memref<1x40x128xf32, #tpu.memory_space<vmem>>
          %dma_start3A_231 = tpu.memref_squeeze %dma_start3A_230 : memref<1x40x128xf32, #tpu.memory_space<vmem>> -> memref<40x128xf32, #tpu.memory_space<vmem>>
          %dma_start3A_232 = arith.constant 0 : i32
          %dma_start3A_233 = tpu.memref_slice %arg17[%mul3A_225, %dma_start3A_232] : memref<204800x128xf32, #tpu.memory_space<hbm>> -> memref<40x128xf32, #tpu.memory_space<hbm>>
          %dma_start3A_234 = arith.constant 0 : i32
          %dma_start3A_235 = tpu.memref_slice %arg17[%mul3A_225, %dma_start3A_234] : memref<204800x128xf32, #tpu.memory_space<hbm>> -> memref<40x128xf32, #tpu.memory_space<hbm>>
          %dma_start3A_236 = arith.constant 0 : i32
          %dma_start3A_237 = arith.constant 0 : i32
          %dma_start3A_238 = tpu.memref_slice %arg18[%run_scoped3A_226, %dma_start3A_236, %dma_start3A_237] : memref<7x40x128xf32, #tpu.memory_space<vmem>> -> memref<1x40x128xf32, #tpu.memory_space<vmem>>
          %dma_start3A_239 = tpu.memref_squeeze %dma_start3A_238 : memref<1x40x128xf32, #tpu.memory_space<vmem>> -> memref<40x128xf32, #tpu.memory_space<vmem>>
          tpu.enqueue_dma source(%dma_start3A_239 : memref<40x128xf32, #tpu.memory_space<vmem>>) target(%dma_start3A_235 : memref<40x128xf32, #tpu.memory_space<hbm>>) target_semaphore(%run_scoped3A_227 : memref<!tpu.dma_semaphore, #tpu.memory_space<semaphore_mem>>)
          %dma_wait3A_240 = arith.constant 0 : i32
          %dma_wait3A_241 = arith.constant 0 : i32
          %dma_wait3A_242 = tpu.memref_slice %arg18[%run_scoped3A_226, %dma_wait3A_240, %dma_wait3A_241] : memref<7x40x128xf32, #tpu.memory_space<vmem>> -> memref<1x40x128xf32, #tpu.memory_space<vmem>>
          %dma_wait3A_243 = tpu.memref_squeeze %dma_wait3A_242 : memref<1x40x128xf32, #tpu.memory_space<vmem>> -> memref<40x128xf32, #tpu.memory_space<vmem>>
          %dma_wait3A_244 = arith.constant 0 : i32
          %dma_wait3A_245 = tpu.memref_slice %arg17[%mul3A_225, %dma_wait3A_244] : memref<204800x128xf32, #tpu.memory_space<hbm>> -> memref<40x128xf32, #tpu.memory_space<hbm>>
          %dma_wait3A_246 = arith.constant 0 : i32
          %dma_wait3A_247 = tpu.memref_slice %arg17[%mul3A_225, %dma_wait3A_246] : memref<204800x128xf32, #tpu.memory_space<hbm>> -> memref<40x128xf32, #tpu.memory_space<hbm>>
          %dma_wait3A_248 = arith.constant 0 : i32
          %dma_wait3A_249 = arith.constant 0 : i32
          %dma_wait3A_250 = tpu.memref_slice %arg18[%run_scoped3A_226, %dma_wait3A_248, %dma_wait3A_249] : memref<7x40x128xf32, #tpu.memory_space<vmem>> -> memref<1x40x128xf32, #tpu.memory_space<vmem>>
          %dma_wait3A_251 = tpu.memref_squeeze %dma_wait3A_250 : memref<1x40x128xf32, #tpu.memory_space<vmem>> -> memref<40x128xf32, #tpu.memory_space<vmem>>
          tpu.wait_dma2 semaphore(%run_scoped3A_227 : memref<!tpu.dma_semaphore, #tpu.memory_space<semaphore_mem>>) src(%dma_wait3A_251 : memref<40x128xf32, #tpu.memory_space<vmem>>) dst(%dma_wait3A_247 : memref<40x128xf32, #tpu.memory_space<hbm>>)
          tpu.yield
        }) : () -> ()
      }
      %scan3A_41 = arith.constant 8 : i32
    }
    %scan3A_7 = arith.constant 20 : i32
    return
  }
}

</mosaic_0001>

<sc_bundles>
// kernel: kernel.3.cloned.1.call-start
scs
__scs_entry_jumppad:
0x0: {  	(pc) =	sbr.rel $0x88, $3  }
0x1: {  	(tag) =	ssettag $0x0;
	lr =	simm.s32 $0x1  }
0x2: {  	[smem:$0x3F92] =	sst lr;
	_ =	strace $0xD0000000  }
0x3: {  	_ = 	snop  }
0x4: {  	_ = 	snop  }
0x5: {  	_ = 	snop  }
0x6: {  	_ = 	snop  }
0x7: {  	_ = 	snop  }
__scs_overlays_trampoline_lowered:
0x8: {  	[smem:$0x3FA1] =	sst s0  }
0x9: {  	[smem:$0x3FA2] =	sst s1  }
0xa: {  	[smem:$0x3FA3] =	sst s2  }
0xb: {  	[smem:$0x3FA4] =	sst s3  }
0xc: {  	[smem:$0x3FA5] =	sst s4  }
0xd: {  	[smem:$0x3FA6] =	sst s5  }
0xe: {  	[smem:$0x3FA7] =	sst s6  }
0xf: {  	[smem:$0x3FA8] =	sst s7  }
0x10: {  	[smem:$0x3FA9] =	sst s8  }
0x11: {  	[smem:$0x3FAA] =	sst s9;
	s0 =	simm.s32 @!p0 $0x0  }
0x12: {  	s1 =	sld [smem:$0x3F90];
	s0 =	simm.s32 @p0 $0x1  }
0x13: {  	[smem:$0x3FAB] =	sst s0;
	s0 =	simm.s32 @!p1 $0x0  }
0x14: {  	s2 =	sld [smem:$0x3F8F];
	s0 =	simm.s32 @p1 $0x1  }
0x15: {  	[smem:$0x3FAC] =	sst s0;
	s0 =	simm.s32 @!p2 $0x0  }
0x16: {  	s3 =	sld [smem:$0x3FDB];
	s0 =	simm.s32 @p2 $0x1  }
0x17: {  	s4 =	simm.s32 $0x1BF5;
	[smem:$0x3FAE] =	sst s0  }
0x18: {  	s0 =	sld [smem:$0x3F91];
	_ =	swait.ge [sflag:s4], $0x0  }
0x19: {  	s7 =	sld [smem:$0x3F92]  }
0x1a: {  	s8 =	sadd.s32 $0xFFFFE003, lr  }
0x1b: {  	s9 =	sadd.s32 $0xFFFFFEF7, lr;
	s5 =	simm.s32 $0xFFFFFFFF;
	p2 =	slt.u32 s8, $0xFFFFF086  }
0x1c: {  	p1 =	slt.u32 s9, $0xF7A;
	s5 =	simm.s32 @!p2 $0x0  }
0x1d: {  	s5 =	simm.s32 @p1 $0x1;
	p0 =	seq.s32 s7, s2  }
0x1e: {  	s7 =	smul.u32 @!p0 $0xF7A, s2;
	p2 =	seq.s32 @!p0 s5, $0x0  }
0x1f: {  	s9 =	smul.u32 $0xF7A, s1;
	s8 =	simm.s32 @!p0 $0x1BF5;
	p2 =	por !p2, p0  }
0x20: {  	[sflag:s8] =	ssyncset.s32 @!p0 $0xFFFFF086;
	s6 =	sadd.s32 @!p0 s3, s7;
	s7 =	simm.s32 @!p0 $0x108  }
0x21: {  	s3 =	sadd.s32 s3, s9;
	s6 =	sadd.s32 @!p0 $0x88, s6;
	s7 =	simm.s32 @p2 $0x1082  }
0x22: {  	[simem:s7], [sflag:s8] =	dma.local @!p0 [hbm:s6], $0xF7A  }
0x23: {  	s9 =	sor.u32 $0xD0000000, s2;
	s6 =	simm.s32 $0x108;
	_ =	swait.ge @!p0 [sflag:s8], $0x0  }
0x24: {  	s3 =	sadd.s32 $0x88, s3;
	s6 =	simm.s32 @!p1 $0x1082;
	[sflag:s4] =	ssyncset.s32 $0xFFFFF086  }
0x25: {  	[simem:s6], [sflag:s4] =	dma.local [hbm:s3], $0xF7A  }
0x26: {  	[smem:$0x3F92] =	sst s1;
	(tag) =	ssettag s2;
	_ =	strace s9  }
0x27: {  	s1 =	sld [smem:$0x3FA2]  }
0x28: {  	s2 =	sld [smem:$0x3FA3]  }
0x29: {  	s4 =	sld [smem:$0x3FA5]  }
0x2a: {  	p0 =	seq.s32 s5, $0x0;
	s5 =	sld [smem:$0x3FA6]  }
0x2b: {  	s6 =	sld [smem:$0x3FA7]  }
0x2c: {  	s7 =	sld [smem:$0x3FA8]  }
0x2d: {  	s3 =	simm.s32 $0x108;
	s8 =	sld [smem:$0x3FA9]  }
0x2e: {  	s3 =	simm.s32 @!p0 $0x1082;
	s9 =	sld [smem:$0x3FAA]  }
0x2f: {  	lr =	sadd.s32 s0, s3;
	s0 =	sld [smem:$0x3FA1]  }
0x30: {  	s3 =	sld [smem:$0x3FA4]  }
0x31: {  	[smem:$0x3FAD] =	sst s10  }
0x32: {  	s10 =	sld [smem:$0x3FAB];
	_ =	sdelay $0x3  }
0x33: {  	p0 =	seq.s32 s10, $0x1;
	s10 =	sld [smem:$0x3FAD];
	_ =	sdelay $0x3  }
0x34: {  	[smem:$0x3FAD] =	sst s10  }
0x35: {  	s10 =	sld [smem:$0x3FAC];
	_ =	sdelay $0x3  }
0x36: {  	p1 =	seq.s32 s10, $0x1;
	s10 =	sld [smem:$0x3FAD];
	_ =	sdelay $0x3  }
0x37: {  	[smem:$0x3FAD] =	sst s10  }
0x38: {  	s10 =	sld [smem:$0x3FAE]  }
0x39: {  	_ = 	snop;
	(pc) =	sbr.ind lr, $3  }
0x3a: {  	_ = 	snop  }
0x3b: {  	_ = 	snop  }
0x3c: {  	p2 =	seq.s32 s10, $0x1;
	s10 =	sld [smem:$0x3FAD]  }
0x3d: {  	_ =	shalt  }
0x3e: {  	_ =	shalt  }
0x3f: {  	_ =	shalt  }
0x40: {  	_ =	shalt  }
0x41: {  	_ =	shalt  }
0x42: {  	_ =	shalt  }
0x43: {  	_ =	shalt  }
0x44: {  	_ =	shalt  }
0x45: {  	_ =	shalt  }
0x46: {  	_ =	shalt  }
0x47: {  	_ =	shalt  }
0x48: {  	_ =	shalt  }
0x49: {  	_ =	shalt  }
0x4a: {  	_ =	shalt  }
0x4b: {  	_ =	shalt  }
0x4c: {  	_ =	shalt  }
0x4d: {  	_ =	shalt  }
0x4e: {  	_ =	shalt  }
0x4f: {  	_ =	shalt  }
0x50: {  	_ =	shalt  }
0x51: {  	_ =	shalt  }
0x52: {  	_ =	shalt  }
0x53: {  	_ =	shalt  }
0x54: {  	_ =	shalt  }
0x55: {  	_ =	shalt  }
0x56: {  	_ =	shalt  }
0x57: {  	_ =	shalt  }
0x58: {  	_ =	shalt  }
0x59: {  	_ =	shalt  }
0x5a: {  	_ =	shalt  }
0x5b: {  	_ =	shalt  }
0x5c: {  	_ =	shalt  }
0x5d: {  	_ =	shalt  }
0x5e: {  	_ =	shalt  }
0x5f: {  	_ =	shalt  }
0x60: {  	_ =	shalt  }
0x61: {  	_ =	shalt  }
0x62: {  	_ =	shalt  }
0x63: {  	_ =	shalt  }
0x64: {  	_ =	shalt  }
0x65: {  	_ =	shalt  }
0x66: {  	_ =	shalt  }
0x67: {  	_ =	shalt  }
0x68: {  	_ =	shalt  }
0x69: {  	_ =	shalt  }
0x6a: {  	_ =	shalt  }
0x6b: {  	_ =	shalt  }
0x6c: {  	_ =	shalt  }
0x6d: {  	_ =	shalt  }
0x6e: {  	_ =	shalt  }
0x6f: {  	_ =	shalt  }
0x70: {  	_ =	shalt  }
0x71: {  	_ =	shalt  }
0x72: {  	_ =	shalt  }
0x73: {  	_ =	shalt  }
0x74: {  	_ =	shalt  }
0x75: {  	_ =	shalt  }
0x76: {  	_ =	shalt  }
0x77: {  	_ =	shalt  }
0x78: {  	_ =	shalt  }
0x79: {  	_ =	shalt  }
0x7a: {  	_ =	shalt  }
0x7b: {  	_ =	shalt  }
0x7c: {  	_ =	shalt  }
0x7d: {  	_ =	shalt  }
0x7e: {  	_ =	shalt  }
0x7f: {  	_ =	shalt  }
0x80: {  	_ =	shalt  }
0x81: {  	_ =	shalt  }
0x82: {  	_ =	shalt  }
0x83: {  	_ =	shalt  }
0x84: {  	_ =	shalt  }
0x85: {  	_ =	shalt  }
0x86: {  	_ =	shalt  }
0x87: {  	_ =	shalt  }
.Lfunc_end0:
.L_simem_size_0:
called_computation_lowered:
.L_overlay_start_0:
0x88: {  	s2 =	sld [smem:$0x3FD9]  }
0x89: {  	s3 =	sld [smem:$0x3FFE];
	_ =	sdelay $0x1  }
0x8a: {  	s1 =	srdreg.scid  }
0x8b: {  	s0 =	sand.u32 $0x1, s1  }
0x8c: {  	s17 =	sshll.u32 s0, $0xA;
	s2 =	sadd.s32 s3, s2  }
0x8d: {  	s2 =	sadd.s32 s2, s17  }
0x8e: {  	[smem:$0x3FB9] =	sst s2  }
0x8f: {  	_ = 	snop  }
0x90: {  	s2 =	sld [smem:$0x3FC2]  }
0x91: {  	s18 =	sld [smem:$0x3FC1]  }
0x92: {  	s4 =	sld [smem:$0x3FC0]  }
0x93: {  	s5 =	sld [smem:$0x3FBF]  }
0x94: {  	s6 =	sld [smem:$0x3FBE]  }
0x95: {  	s7 =	sld [smem:$0x3FBD]  }
0x96: {  	s8 =	sld [smem:$0x3FBC]  }
0x97: {  	s9 =	sld [smem:$0x3FD0];
	(tm) =	ssettm $0x1  }
0x98: {  	s10 =	sld [smem:$0x3FFB];
	_ =	sdelay $0x3  }
0x99: {  	_ =	strace s10  }
0x9a: {  	s10 =	sld [smem:$0x3FFC];
	_ =	sdelay $0x3  }
0x9b: {  	_ =	strace s10  }
0x9c: {  	s10 =	sld [smem:$0x3FFD];
	_ =	sdelay $0x3  }
0x9d: {  	_ =	strace s10  }
0x9e: {  	_ =	strace $0x8FFFFFFF  }
0x9f: {  	s19 =	sld [smem:$0x3FDB];
	_ =	sdelay $0x1  }
0xa0: {  	s11 =	simm.s32 $_scs_section_size  }
0xa1: {  	s12 =	simm.s32 $_size__tile_overlayer_lowered;
	s13 =	simm.s32 $_tile_overlayer_lowered  }
0xa2: {  	s22 =	simm.s32 $0x1BFF;
	s21 =	sshll.u32 s13, $0x1;
	s10 =	sadd.s32 s11, s19  }
0xa3: {  	s14 =	simm.s32 $0x0;
	s20 =	sshll.u32 s12, $0x1;
	s12 =	sadd.s32 s21, s10  }
0xa4: {  	[timem:s14], [sflag:s22] =	dma.local [hbm:s12], s20  }
0xa5: {  	_ =	swait.ge [sflag:s22], s20  }
0xa6: {  	s11 =	ssub.s32 $0x0, s20;
	[sflag:s22] =	ssyncset.done $0x0  }
0xa7: {  	[sflag:s22] =	ssyncadd.s32 s11;
	_ =	sdelay $0x1  }
0xa8: {  	s23 =	simm.s32 $0x1B8B  }
0xa9: {  	_ =	swait.ge [sflag:s23], $0x1  }
0xaa: {  	[sflag:s23] =	ssyncset.done $0x0  }
0xab: {  	s25 =	simm.s32 $0x1B8E;
	s24 =	sld [smem:$0x3FFE];
	[sflag:s23] =	ssyncadd.s32 $0xFFFFFFFF  }
0xac: {  	s26 =	simm.s32 $execute0_lowered;
	[smem:$0x3FD2] =	sst s25  }
0xad: {  	s12 =	sshll.u32 s26, $0x1;
	_ =	strace $0x80000046;
	[dreg:$0x1] =	wrdreg $0xFFFFFFFF  }
0xae: {  	s28 =	simm.s32 $_size_execute0_lowered;
	s10 =	sadd.s32 s10, s12;
	[dreg:$0x0] =	wrdreg $0x0  }
0xaf: {  	s12 =	sshll.u32 s28, $0x1;
	[dreg:$0x2] =	wrdreg s10  }
0xb0: {  	[dreg:$0x3] =	wrdreg s12  }
0xb1: {  	[dreg:$0x4] =	wrdreg $0xC0  }
0xb2: {  	_ =	task [dreg:s14], $0x5FFFF  }
0xb3: {  	[dreg:$0x1] =	wrdreg $0xFFFFFFFF  }
0xb4: {  	[dreg:$0x0] =	wrdreg $0x60  }
0xb5: {  	[dreg:$0x2] =	wrdreg s24  }
0xb6: {  	[dreg:$0x3] =	wrdreg s2  }
0xb7: {  	[dreg:$0x4] =	wrdreg s18  }
0xb8: {  	[dreg:$0x5] =	wrdreg s4  }
0xb9: {  	[dreg:$0x6] =	wrdreg s5  }
0xba: {  	[dreg:$0x7] =	wrdreg s6  }
0xbb: {  	[dreg:$0x8] =	wrdreg s7  }
0xbc: {  	[dreg:$0x9] =	wrdreg s8  }
0xbd: {  	[dreg:$0xa] =	wrdreg s9  }
0xbe: {  	[dreg:$0xb] =	wrdreg $0x9  }
0xbf: {  	_ =	task.clear_ibuf [dreg:s14], $0xCFFFF;
	_ =	strace $0x90000046  }
0xc0: {  	s29 =	simm.s32 $0x9;
	_ =	strace $0x80000048  }
0xc1: {  	_ =	swait.ge [sflag:s29], $0x1  }
0xc2: {  	[sflag:s29] =	ssyncadd.s32 $0xFFFFFFFF  }
0xc3: {  	_ =	strace $0x90000048  }
0xc4: {  	_ =	sfence  }
0xc5: {  	s30 =	sld [smem:$0x0];
	_ =	sdelay $0x2  }
0xc6: {  	s31 =	sshll.u32 s1, $0xD;
	s1 =	sshrl.u32 s1, $0x2  }
0xc7: {  	s3 =	sand.u32 $0x4000, s31;
	s1 =	sadd.s32 s1, s30  }
0xc8: {  	s0 =	sor.u32 s3, s0;
	s1 =	sshll.u32 s1, $0x11  }
0xc9: {  	s0 =	sor.u32 s1, s0  }
0xca: {  	s0 =	sadd.s32 $0x8F2B, s0  }
0xcb: {  	[sflag:s0] =	ssyncadd.remote.s32 $0x1  }
0xcc: {  	_ =	sfence.sel $0xFFFF  }
0xcd: {  	[dreg:$0x0] =	wrdreg $0xFFFFFFFF;
	(pc) =	sbr.abs _section_cstart, $3  }
0xce: {  	[dreg:$0x1] =	wrdreg $0xFFFFFFFF  }
0xcf: {  	_ =	task.clear_ibuf [dreg:s14], $0x2FFFF;
	_ =	strace $0x9FFFFFFF  }
0xd0: {  	(tm) =	ssettm $0x7FFFFFFF  }
0xd1: {  	_ =	shalt  }
tec
execute0_lowered:
.L_overlay_start_1:
0x0: {  	(tag) =	ssettag $0x1  }
0x1: {  	s2 =	rddreg [dreg:$0x0]  }
0x2: {  	s0 =	rddreg [dreg:$0x1]  }
0x3: {  	s1 =	rddreg [dreg:$0x2]  }
0x4: {  	s3 =	rddreg [dreg:$0x3]  }
0x5: {  	s4 =	rddreg [dreg:$0x4]  }
0x6: {  	s5 =	rddreg [dreg:$0x5]  }
0x7: {  	s6 =	rddreg [dreg:$0x6]  }
0x8: {  	s7 =	rddreg [dreg:$0x7]  }
0x9: {  	s8 =	rddreg [dreg:$0x8];
	s9 =	simm.s32 $0x0;
	s23 =	srdreg.scid  }
0xa: {  	s13 =	stileid.u32;
	[smem:$0x7FF] =	sst s9;
	s10 =	sadd.s32 $0x79E00, s2  }
0xb: {  	s22 =	sadd.s32 $0x65E00, s2;
	_ =	strace $0x80000047;
	[dreg:$0xa] =	wrdreg s10  }
0xc: {  	s31 =	simm.s32 $0x28;
	s11 =	sadd.s32 $0x51E00, s2;
	[dreg:$0xb] =	wrdreg s22  }
0xd: {  	s21 =	simm.s32 $0x3C00;
	s24 =	sadd.s32 $0x3DE00, s2;
	[dreg:$0xc] =	wrdreg s11  }
0xe: {  	s18 =	simm.s32 $0x5000;
	s25 =	sadd.s32 $0x29E00, s2;
	[dreg:$0xd] =	wrdreg s24  }
0xf: {  	s20 =	simm.s32 $0x6400;
	s12 =	sadd.s32 $0x15E00, s2;
	[dreg:$0xe] =	wrdreg s25  }
0x10: {  	s30 =	simm.s32 $0x0;
	s14 =	sadd.s32 $0x1E00, s2;
	[dreg:$0xf] =	wrdreg s12  }
0x11: {  	s2 =	sadd.s32 $0x1000, s2;
	s10 =	sand.u32 $0x1, s23;
	[dreg:$0x10] =	wrdreg s14  }
0x12: {  	s13 =	sshll.u32 s13, $0x1;
	[dreg:$0x11] =	wrdreg s2;
	s26 =	ssub.s32 $0x2, s10  }
0x13: {  	s22 =	simm.s32 $0x2;
	s2 =	simm.s32 $0x1400;
	s28 =	sshrl.u32 s26, $0x1  }
0x14: {  	s12 =	simm.s32 $0x2800;
	s23 =	simm.s32 $0x7800;
	s11 =	ssub.s32 s26, s28  }
0x15: {  	s24 =	simm.s32 $0x1;
	s10 =	sor.u32 s10, s13;
	s29 =	smax.u32 s11, $0x1  }
0x16: {  	s19 =	smul.u32 $0xA0, s10;
	s11 =	simm.s32 $0x0;
	[dreg:$0x12] =	wrdreg s29  }
.LBB2_1:
0x17: {  	[dreg:$0x13] =	wrdreg s11  }
0x18: {  	s10 =	rddreg [dreg:$0x11];
	s29 =	simm.s32 $0x8C00  }
0x19: {  	[tilespmem:s29], [sflag:$0x2] =	stream.linear.gather [hbm4b:s10+s9], $0x6400, $0x38;
	[tilespmem:$0x10C00] =	vst v63  }
0x1a: {  	_ =	swait.ge [sflag:s22], $0x6400  }
0x1b: {  	s25 =	simm.s32 $0x8C80;
	[sflag:s22] =	ssyncset.done $0x0  }
0x1c: {  	s28 =	simm.s32 $0x0;
	s10 =	simm.s32 $0x0;
	[sflag:s22] =	ssyncadd.s32 $0xFFFF9C00  }
.LBB2_2:
0x1d: {  	s29 =	sshll.u32 s28, $0x3  }
0x1e: {  	s13 =	sadd.s32 s19, s29  }
0x1f: {  	s11 =	rddreg [dreg:$0xa];
	s13 =	sshll.u32 s13, $0x4  }
0x20: {  	s15 =	simm.s32 $0xF000;
	s14 =	sadd.s32 s11, s13  }
0x21: {  	[tilespmem:s15], [sflag:$0x2] =	stream.linear.gather [hbm4b:s14+s30], $0x400, $0x38;
	[tilespmem:$0x10C00] =	vst v63  }
0x22: {  	_ =	swait.ge [sflag:s22], $0x400  }
0x23: {  	[sflag:s22] =	ssyncset.done $0x0;
	s16 =	rddreg [dreg:$0xb]  }
0x24: {  	s26 =	simm.s32 $0xF400;
	[sflag:s22] =	ssyncadd.s32 $0xFFFFFC00;
	s17 =	sadd.s32 s16, s13  }
0x25: {  	[tilespmem:s26], [sflag:$0x2] =	stream.linear.gather [hbm4b:s17+s30], $0x400, $0x38;
	[tilespmem:$0x10C00] =	vst v63  }
0x26: {  	_ =	swait.ge [sflag:s22], $0x400  }
0x27: {  	[sflag:s22] =	ssyncset.done $0x0;
	s15 =	rddreg [dreg:$0xc]  }
0x28: {  	s17 =	simm.s32 $0xF800;
	[sflag:s22] =	ssyncadd.s32 $0xFFFFFC00;
	s16 =	sadd.s32 s15, s13  }
0x29: {  	[tilespmem:s17], [sflag:$0x2] =	stream.linear.gather [hbm4b:s16+s30], $0x400, $0x38;
	[tilespmem:$0x10C00] =	vst v63  }
0x2a: {  	_ =	swait.ge [sflag:s22], $0x400  }
0x2b: {  	[sflag:s22] =	ssyncset.done $0x0;
	s26 =	rddreg [dreg:$0xd]  }
0x2c: {  	s15 =	simm.s32 $0xFC00;
	[sflag:s22] =	ssyncadd.s32 $0xFFFFFC00;
	s11 =	sadd.s32 s26, s13  }
0x2d: {  	[tilespmem:s15], [sflag:$0x2] =	stream.linear.gather [hbm4b:s11+s30], $0x400, $0x38;
	[tilespmem:$0x10C00] =	vst v63  }
0x2e: {  	_ =	swait.ge [sflag:s22], $0x400  }
0x2f: {  	[sflag:s22] =	ssyncset.done $0x0;
	s16 =	rddreg [dreg:$0xe]  }
0x30: {  	s26 =	simm.s32 $0x10000;
	[sflag:s22] =	ssyncadd.s32 $0xFFFFFC00;
	s17 =	sadd.s32 s16, s13  }
0x31: {  	[tilespmem:s26], [sflag:$0x2] =	stream.linear.gather [hbm4b:s17+s30], $0x400, $0x38;
	[tilespmem:$0x10C00] =	vst v63  }
0x32: {  	_ =	swait.ge [sflag:s22], $0x400  }
0x33: {  	[sflag:s22] =	ssyncset.done $0x0;
	s14 =	rddreg [dreg:$0xf]  }
0x34: {  	s16 =	simm.s32 $0x10400;
	[sflag:s22] =	ssyncadd.s32 $0xFFFFFC00;
	s15 =	sadd.s32 s14, s13  }
0x35: {  	[tilespmem:s16], [sflag:$0x2] =	stream.linear.gather [hbm4b:s15+s30], $0x400, $0x38;
	[tilespmem:$0x10C00] =	vst v63  }
0x36: {  	_ =	swait.ge [sflag:s22], $0x400  }
0x37: {  	[sflag:s22] =	ssyncset.done $0x0;
	s17 =	rddreg [dreg:$0x10]  }
0x38: {  	s26 =	simm.s32 $0x10800;
	[sflag:s22] =	ssyncadd.s32 $0xFFFFFC00;
	s13 =	sadd.s32 s17, s13  }
0x39: {  	[tilespmem:s26], [sflag:$0x2] =	stream.linear.gather [hbm4b:s13+s30], $0x400, $0x38;
	[tilespmem:$0x10C00] =	vst v63  }
0x3a: {  	_ =	swait.ge [sflag:s22], $0x400  }
0x3b: {  	s26 =	smov.u32 s10;
	[sflag:s22] =	ssyncset.done $0x0  }
0x3c: {  	s13 =	simm.s32 $0x0;
	[dreg:$0x14] =	wrdreg s25;
	[sflag:s22] =	ssyncadd.s32 $0xFFFFFC00  }
.LBB2_3:
0x3d: {  	s14 =	sshll.u32 s13, $0x7  }
0x3e: {  	s14 =	sand.u32 $0x3FFFFF80, s14  }
0x3f: {  	s15 =	sadd.s32 $0xF000, s14  }
0x40: {  	[tilespmem:s30], [sflag:$0x1] =	stream.indirect.gather [hbm4b:s0+s31], $0x80, s15, s31, $0xb8;
	[tilespmem:$0x10C00] =	vst v63  }
0x41: {  	s11 =	sadd.s32 $0xF400, s14  }
0x42: {  	[tilespmem:s2], [sflag:$0x1] =	stream.indirect.gather [hbm4b:s1+s31], $0x80, s11, s31, $0xb8;
	[tilespmem:$0x10C00] =	vst v63  }
0x43: {  	s16 =	sadd.s32 $0xF800, s14  }
0x44: {  	[tilespmem:s12], [sflag:$0x1] =	stream.indirect.gather [hbm4b:s3+s31], $0x80, s16, s31, $0xb8;
	[tilespmem:$0x10C00] =	vst v63  }
0x45: {  	s17 =	sadd.s32 $0xFC00, s14  }
0x46: {  	[tilespmem:s21], [sflag:$0x1] =	stream.indirect.gather [hbm4b:s4+s31], $0x80, s17, s31, $0xb8;
	[tilespmem:$0x10C00] =	vst v63  }
0x47: {  	s11 =	sadd.s32 $0x10000, s14  }
0x48: {  	[tilespmem:s18], [sflag:$0x1] =	stream.indirect.gather [hbm4b:s5+s31], $0x80, s11, s31, $0xb8;
	[tilespmem:$0x10C00] =	vst v63  }
0x49: {  	s16 =	sadd.s32 $0x10400, s14  }
0x4a: {  	[tilespmem:s20], [sflag:$0x1] =	stream.indirect.gather [hbm4b:s6+s31], $0x80, s16, s31, $0xb8;
	[tilespmem:$0x10C00] =	vst v63  }
0x4b: {  	s14 =	sadd.s32 $0x10800, s14  }
0x4c: {  	[tilespmem:s23], [sflag:$0x1] =	stream.indirect.gather [hbm4b:s7+s31], $0x80, s14, s31, $0xb8;
	[tilespmem:$0x10C00] =	vst v63  }
0x4d: {  	_ =	swait.ge [sflag:s24], $0x1400  }
0x4e: {  	[sflag:s24] =	ssyncset.done $0x0  }
0x4f: {  	[sflag:s24] =	ssyncadd.s32 $0xFFFFEC00  }
0x50: {  	_ =	swait.ge [sflag:s24], $0x1400  }
0x51: {  	[sflag:s24] =	ssyncset.done $0x0  }
0x52: {  	[sflag:s24] =	ssyncadd.s32 $0xFFFFEC00  }
0x53: {  	_ =	swait.ge [sflag:s24], $0x1400  }
0x54: {  	[sflag:s24] =	ssyncset.done $0x0  }
0x55: {  	[sflag:s24] =	ssyncadd.s32 $0xFFFFEC00  }
0x56: {  	_ =	swait.ge [sflag:s24], $0x1400  }
0x57: {  	[sflag:s24] =	ssyncset.done $0x0  }
0x58: {  	[sflag:s24] =	ssyncadd.s32 $0xFFFFEC00  }
0x59: {  	_ =	swait.ge [sflag:s24], $0x1400  }
0x5a: {  	[sflag:s24] =	ssyncset.done $0x0  }
0x5b: {  	[sflag:s24] =	ssyncadd.s32 $0xFFFFEC00  }
0x5c: {  	_ =	swait.ge [sflag:s24], $0x1400  }
0x5d: {  	[sflag:s24] =	ssyncset.done $0x0  }
0x5e: {  	[sflag:s24] =	ssyncadd.s32 $0xFFFFEC00  }
0x5f: {  	_ =	swait.ge [sflag:s24], $0x1400  }
0x60: {  	[sflag:s24] =	ssyncset.done $0x0  }
0x61: {  	s14 =	simm.s32 $0x0;
	[sflag:s24] =	ssyncadd.s32 $0xFFFFEC00  }
0x62: {  	v0 =	vld [tilespmem:s14+$0x1400]  }
0x63: {  	s17 =	smulhi.u32 $0x51EB851F, s26;
	v1 =	vld [tilespmem:s14+$0x0];
	_ =	sdelay $0x1  }
0x64: {  	s15 =	sshrl.u32 s17, $0x6;
	v2 =	vld [tilespmem:s14+$0x2800]  }
0x65: {  	s15 =	smul.u32 $0xFFFE7000, s15  }
0x66: {  	v3 =	vld [tilespmem:s14+$0x3C00]  }
0x67: {  	s15 =	sshra.s32 s15, $0x2;
	v1 =	vadd.f32 v0, v1  }
0x68: {  	s15 =	sadd.s32 s15, s25;
	v4 =	vld [tilespmem:s14+$0x5000]  }
0x69: {  	v5 =	vld [tilespmem:s14+$0x6400];
	v0 =	vmov s15;
	v1 =	vadd.f32 v2, v1  }
0x6a: {  	v2 =	vld [tilespmem:s14+$0x10]  }
0x6b: {  	v1 =	vadd.f32 v3, v1;
	v3 =	vld [tilespmem:s14+$0x1410]  }
0x6c: {  	v6 =	vld [tilespmem:s14+$0x7800]  }
0x6d: {  	v7 =	vld [tilespmem:s14+$0x2810];
	v1 =	vadd.f32 v4, v1  }
0x6e: {  	v4 =	vld.idx.msk [tilespmem:v0+s14+$0xFFFFFF80 ss:$0x1], $0xffff  }
0x6f: {  	v1 =	vadd.f32 v5, v1;
	v5 =	vld [tilespmem:s14+$0x3C10]  }
0x70: {  	v2 =	vadd.f32 v3, v2  }
0x71: {  	v3 =	vld [tilespmem:s14+$0x5010];
	v1 =	vadd.f32 v6, v1  }
0x72: {  	v6 =	vld [tilespmem:s14+$0x20];
	v2 =	vadd.f32 v7, v2  }
0x73: {  	v1 =	vadd.f32 v4, v1;
	v4 =	vld [tilespmem:s14+$0x6410]  }
0x74: {  	v7 =	vld [tilespmem:s14+$0x1420];
	v2 =	vadd.f32 v5, v2  }
0x75: {  	[tilespmem:s14+$0x0] =	vst v1;
	v1 =	vld [tilespmem:s14+$0x7810]  }
0x76: {  	v8 =	vld [tilespmem:s14+$0x2820];
	v2 =	vadd.f32 v3, v2  }
0x77: {  	v3 =	vld.idx.msk [tilespmem:v0+s14+$0xFFFFFF90 ss:$0x1], $0xffff  }
0x78: {  	v2 =	vadd.f32 v4, v2;
	v4 =	vld [tilespmem:s14+$0x3C20]  }
0x79: {  	v6 =	vadd.f32 v7, v6  }
0x7a: {  	v1 =	vadd.f32 v1, v2;
	v2 =	vld [tilespmem:s14+$0x5020]  }
0x7b: {  	v7 =	vld [tilespmem:s14+$0x30];
	v6 =	vadd.f32 v8, v6  }
0x7c: {  	v1 =	vadd.f32 v3, v1;
	v3 =	vld [tilespmem:s14+$0x6420]  }
0x7d: {  	v8 =	vld [tilespmem:s14+$0x1430];
	v4 =	vadd.f32 v4, v6  }
0x7e: {  	[tilespmem:s14+$0x10] =	vst v1;
	v1 =	vld [tilespmem:s14+$0x7820]  }
0x7f: {  	v5 =	vld [tilespmem:s14+$0x2830];
	v2 =	vadd.f32 v2, v4  }
0x80: {  	v4 =	vld.idx.msk [tilespmem:v0+s14+$0xFFFFFFA0 ss:$0x1], $0xffff  }
0x81: {  	v2 =	vadd.f32 v3, v2;
	v3 =	vld [tilespmem:s14+$0x3C30]  }
0x82: {  	v7 =	vadd.f32 v8, v7  }
0x83: {  	v1 =	vadd.f32 v1, v2;
	v2 =	vld [tilespmem:s14+$0x5030]  }
0x84: {  	v8 =	vld [tilespmem:s14+$0x40];
	v5 =	vadd.f32 v5, v7  }
0x85: {  	v1 =	vadd.f32 v4, v1;
	v4 =	vld [tilespmem:s14+$0x6430]  }
0x86: {  	v7 =	vld [tilespmem:s14+$0x1440];
	v3 =	vadd.f32 v3, v5  }
0x87: {  	[tilespmem:s14+$0x20] =	vst v1;
	v1 =	vld [tilespmem:s14+$0x7830]  }
0x88: {  	v6 =	vld [tilespmem:s14+$0x2840];
	v2 =	vadd.f32 v2, v3  }
0x89: {  	v3 =	vld.idx.msk [tilespmem:v0+s14+$0xFFFFFFB0 ss:$0x1], $0xffff  }
0x8a: {  	v2 =	vadd.f32 v4, v2;
	v4 =	vld [tilespmem:s14+$0x3C40]  }
0x8b: {  	v7 =	vadd.f32 v7, v8  }
0x8c: {  	v1 =	vadd.f32 v1, v2;
	v2 =	vld [tilespmem:s14+$0x5040]  }
0x8d: {  	v8 =	vld [tilespmem:s14+$0x50];
	v6 =	vadd.f32 v6, v7  }
0x8e: {  	v1 =	vadd.f32 v3, v1;
	v3 =	vld [tilespmem:s14+$0x6440]  }
0x8f: {  	v7 =	vld [tilespmem:s14+$0x1450];
	v4 =	vadd.f32 v4, v6  }
0x90: {  	[tilespmem:s14+$0x30] =	vst v1;
	v1 =	vld [tilespmem:s14+$0x7840]  }
0x91: {  	v5 =	vld [tilespmem:s14+$0x2850];
	v2 =	vadd.f32 v2, v4  }
0x92: {  	v4 =	vld.idx.msk [tilespmem:v0+s14+$0xFFFFFFC0 ss:$0x1], $0xffff  }
0x93: {  	v2 =	vadd.f32 v3, v2;
	v3 =	vld [tilespmem:s14+$0x3C50]  }
0x94: {  	v7 =	vadd.f32 v7, v8  }
0x95: {  	v1 =	vadd.f32 v1, v2;
	v2 =	vld [tilespmem:s14+$0x5050]  }
0x96: {  	v8 =	vld [tilespmem:s14+$0x60];
	v5 =	vadd.f32 v5, v7  }
0x97: {  	v1 =	vadd.f32 v4, v1;
	v4 =	vld [tilespmem:s14+$0x6450]  }
0x98: {  	v7 =	vld [tilespmem:s14+$0x1460];
	v3 =	vadd.f32 v3, v5  }
0x99: {  	[tilespmem:s14+$0x40] =	vst v1;
	v1 =	vld [tilespmem:s14+$0x7850]  }
0x9a: {  	v6 =	vld [tilespmem:s14+$0x2860];
	v2 =	vadd.f32 v2, v3  }
0x9b: {  	v3 =	vld.idx.msk [tilespmem:v0+s14+$0xFFFFFFD0 ss:$0x1], $0xffff  }
0x9c: {  	v2 =	vadd.f32 v4, v2;
	v4 =	vld [tilespmem:s14+$0x3C60]  }
0x9d: {  	v7 =	vadd.f32 v7, v8  }
0x9e: {  	v1 =	vadd.f32 v1, v2;
	v2 =	vld [tilespmem:s14+$0x5060]  }
0x9f: {  	v8 =	vld [tilespmem:s14+$0x70];
	v6 =	vadd.f32 v6, v7  }
0xa0: {  	v1 =	vadd.f32 v3, v1;
	v3 =	vld [tilespmem:s14+$0x6460]  }
0xa1: {  	v7 =	vld [tilespmem:s14+$0x1470];
	v4 =	vadd.f32 v4, v6  }
0xa2: {  	[tilespmem:s14+$0x50] =	vst v1;
	v1 =	vld [tilespmem:s14+$0x7860]  }
0xa3: {  	v5 =	vld [tilespmem:s14+$0x2870];
	v2 =	vadd.f32 v2, v4  }
0xa4: {  	v4 =	vld.idx.msk [tilespmem:v0+s14+$0xFFFFFFE0 ss:$0x1], $0xffff  }
0xa5: {  	v2 =	vadd.f32 v3, v2;
	v3 =	vld [tilespmem:s14+$0x3C70]  }
0xa6: {  	v7 =	vadd.f32 v7, v8  }
0xa7: {  	v1 =	vadd.f32 v1, v2;
	v2 =	vld [tilespmem:s14+$0x5070]  }
0xa8: {  	v8 =	vld [tilespmem:s14+$0x80];
	v5 =	vadd.f32 v5, v7  }
0xa9: {  	v1 =	vadd.f32 v4, v1;
	v4 =	vld [tilespmem:s14+$0x6470]  }
0xaa: {  	v7 =	vld [tilespmem:s14+$0x1480];
	v3 =	vadd.f32 v3, v5  }
0xab: {  	[tilespmem:s14+$0x60] =	vst v1;
	v1 =	vld [tilespmem:s14+$0x7870]  }
0xac: {  	v6 =	vld [tilespmem:s14+$0x2880];
	v2 =	vadd.f32 v2, v3  }
0xad: {  	v3 =	vld.idx.msk [tilespmem:v0+s14+$0xFFFFFFF0 ss:$0x1], $0xffff  }
0xae: {  	v2 =	vadd.f32 v4, v2;
	v4 =	vld [tilespmem:s14+$0x3C80]  }
0xaf: {  	v7 =	vadd.f32 v7, v8  }
0xb0: {  	v1 =	vadd.f32 v1, v2;
	v2 =	vld [tilespmem:s14+$0x5080]  }
0xb1: {  	v8 =	vld [tilespmem:s14+$0x90];
	v6 =	vadd.f32 v6, v7  }
0xb2: {  	v1 =	vadd.f32 v3, v1;
	v3 =	vld [tilespmem:s14+$0x6480]  }
0xb3: {  	v7 =	vld [tilespmem:s14+$0x1490];
	v4 =	vadd.f32 v4, v6  }
0xb4: {  	[tilespmem:s14+$0x70] =	vst v1;
	v1 =	vld [tilespmem:s14+$0x7880]  }
0xb5: {  	v5 =	vld [tilespmem:s14+$0x2890];
	v2 =	vadd.f32 v2, v4  }
0xb6: {  	v4 =	vld.idx.msk [tilespmem:v0+s14+$0x0 ss:$0x1], $0xffff  }
0xb7: {  	v2 =	vadd.f32 v3, v2;
	v3 =	vld [tilespmem:s14+$0x3C90]  }
0xb8: {  	v7 =	vadd.f32 v7, v8  }
0xb9: {  	v1 =	vadd.f32 v1, v2;
	v2 =	vld [tilespmem:s14+$0x5090]  }
0xba: {  	v8 =	vld [tilespmem:s14+$0xA0];
	v5 =	vadd.f32 v5, v7  }
0xbb: {  	v1 =	vadd.f32 v4, v1;
	v4 =	vld [tilespmem:s14+$0x6490]  }
0xbc: {  	v7 =	vld [tilespmem:s14+$0x14A0];
	v3 =	vadd.f32 v3, v5  }
0xbd: {  	[tilespmem:s14+$0x80] =	vst v1;
	v1 =	vld [tilespmem:s14+$0x7890]  }
0xbe: {  	v6 =	vld [tilespmem:s14+$0x28A0];
	v2 =	vadd.f32 v2, v3  }
0xbf: {  	v3 =	vld.idx.msk [tilespmem:v0+s14+$0x10 ss:$0x1], $0xffff  }
0xc0: {  	v2 =	vadd.f32 v4, v2;
	v4 =	vld [tilespmem:s14+$0x3CA0]  }
0xc1: {  	v7 =	vadd.f32 v7, v8  }
0xc2: {  	v1 =	vadd.f32 v1, v2;
	v2 =	vld [tilespmem:s14+$0x50A0]  }
0xc3: {  	v8 =	vld [tilespmem:s14+$0xB0];
	v6 =	vadd.f32 v6, v7  }
0xc4: {  	v1 =	vadd.f32 v3, v1;
	v3 =	vld [tilespmem:s14+$0x64A0]  }
0xc5: {  	v7 =	vld [tilespmem:s14+$0x14B0];
	v4 =	vadd.f32 v4, v6  }
0xc6: {  	[tilespmem:s14+$0x90] =	vst v1;
	v1 =	vld [tilespmem:s14+$0x78A0]  }
0xc7: {  	v5 =	vld [tilespmem:s14+$0x28B0];
	v2 =	vadd.f32 v2, v4  }
0xc8: {  	v4 =	vld.idx.msk [tilespmem:v0+s14+$0x20 ss:$0x1], $0xffff  }
0xc9: {  	v2 =	vadd.f32 v3, v2;
	v3 =	vld [tilespmem:s14+$0x3CB0]  }
0xca: {  	v7 =	vadd.f32 v7, v8  }
0xcb: {  	v1 =	vadd.f32 v1, v2;
	v2 =	vld [tilespmem:s14+$0x50B0]  }
0xcc: {  	v8 =	vld [tilespmem:s14+$0xC0];
	v5 =	vadd.f32 v5, v7  }
0xcd: {  	v1 =	vadd.f32 v4, v1;
	v4 =	vld [tilespmem:s14+$0x64B0]  }
0xce: {  	v7 =	vld [tilespmem:s14+$0x14C0];
	v3 =	vadd.f32 v3, v5  }
0xcf: {  	[tilespmem:s14+$0xA0] =	vst v1;
	v1 =	vld [tilespmem:s14+$0x78B0]  }
0xd0: {  	v6 =	vld [tilespmem:s14+$0x28C0];
	v2 =	vadd.f32 v2, v3  }
0xd1: {  	v3 =	vld.idx.msk [tilespmem:v0+s14+$0x30 ss:$0x1], $0xffff  }
0xd2: {  	v2 =	vadd.f32 v4, v2;
	v4 =	vld [tilespmem:s14+$0x3CC0]  }
0xd3: {  	v7 =	vadd.f32 v7, v8  }
0xd4: {  	v1 =	vadd.f32 v1, v2;
	v2 =	vld [tilespmem:s14+$0x50C0]  }
0xd5: {  	v8 =	vld [tilespmem:s14+$0xD0];
	v6 =	vadd.f32 v6, v7  }
0xd6: {  	v1 =	vadd.f32 v3, v1;
	v3 =	vld [tilespmem:s14+$0x64C0]  }
0xd7: {  	v7 =	vld [tilespmem:s14+$0x14D0];
	v4 =	vadd.f32 v4, v6  }
0xd8: {  	[tilespmem:s14+$0xB0] =	vst v1;
	v1 =	vld [tilespmem:s14+$0x78C0]  }
0xd9: {  	v5 =	vld [tilespmem:s14+$0x28D0];
	v2 =	vadd.f32 v2, v4  }
0xda: {  	v4 =	vld.idx.msk [tilespmem:v0+s14+$0x40 ss:$0x1], $0xffff  }
0xdb: {  	v2 =	vadd.f32 v3, v2;
	v3 =	vld [tilespmem:s14+$0x3CD0]  }
0xdc: {  	v7 =	vadd.f32 v7, v8  }
0xdd: {  	v1 =	vadd.f32 v1, v2;
	v2 =	vld [tilespmem:s14+$0x50D0]  }
0xde: {  	v8 =	vld [tilespmem:s14+$0xE0];
	v5 =	vadd.f32 v5, v7  }
0xdf: {  	v1 =	vadd.f32 v4, v1;
	v4 =	vld [tilespmem:s14+$0x64D0]  }
0xe0: {  	v7 =	vld [tilespmem:s14+$0x14E0];
	v3 =	vadd.f32 v3, v5  }
0xe1: {  	v5 =	vld [tilespmem:s14+$0x78D0]  }
0xe2: {  	v6 =	vld [tilespmem:s14+$0x28E0];
	[tilespmem:s14+$0xC0] =	vst v1;
	v1 =	vadd.f32 v2, v3  }
0xe3: {  	v2 =	vld.idx.msk [tilespmem:v0+s14+$0x50 ss:$0x1], $0xffff  }
0xe4: {  	v3 =	vadd.f32 v4, v1;
	v4 =	vld [tilespmem:s14+$0x3CE0]  }
0xe5: {  	v7 =	vadd.f32 v7, v8  }
0xe6: {  	v3 =	vadd.f32 v5, v3;
	v5 =	vld [tilespmem:s14+$0x50E0]  }
0xe7: {  	v9 =	vld [tilespmem:s14+$0xF0];
	v6 =	vadd.f32 v6, v7  }
0xe8: {  	v7 =	vld [tilespmem:s14+$0x64E0]  }
0xe9: {  	v8 =	vld [tilespmem:s14+$0x14F0];
	v2 =	vadd.f32 v2, v3;
	v3 =	vadd.f32 v4, v6  }
0xea: {  	v6 =	vld [tilespmem:s14+$0x78E0]  }
0xeb: {  	v1 =	vld [tilespmem:s14+$0x28F0];
	[tilespmem:s14+$0xD0] =	vst v2;
	v2 =	vadd.f32 v5, v3  }
0xec: {  	v3 =	vld.idx.msk [tilespmem:v0+s14+$0x60 ss:$0x1], $0xffff  }
0xed: {  	v4 =	vld [tilespmem:s14+$0x3CF0];
	v5 =	vadd.f32 v7, v2  }
0xee: {  	v2 =	vld [tilespmem:s14+$0x78F0];
	v7 =	vadd.f32 v8, v9  }
0xef: {  	s17 =	simm.s32 $0x400;
	s16 =	simm.s32 $0x0;
	s15 =	sor.u32 s29, s13;
	v6 =	vadd.f32 v6, v5;
	v5 =	vld [tilespmem:s14+$0x50F0]  }
.LBB2_4:
0xf0: {  	s11 =	sshra.s32 s17, $0x2;
	v1 =	vadd.f32 v1, v7;
	v7 =	vld [tilespmem:s14+$0x64F0]  }
0xf1: {  	s16 =	sadd.s32 $0x2, s16;
	v8 =	vld [tilespmem:s11+$0x1400];
	v3 =	vadd.f32 v3, v6  }
0xf2: {  	p0 =	slt.u32 s16, $0x26;
	v6 =	vld [tilespmem:s11+$0x0];
	v1 =	vadd.f32 v4, v1  }
0xf3: {  	v4 =	vld [tilespmem:s11+$0x2800];
	[tilespmem:s14+$0xE0] =	vst v3  }
0xf4: {  	v1 =	vadd.f32 v5, v1;
	v3 =	vld.idx.msk [tilespmem:v0+s14+$0x70 ss:$0x1], $0xffff;
	_ =	sdelay $0x1  }
0xf5: {  	v5 =	vld [tilespmem:s11+$0x3C00];
	v1 =	vadd.f32 v7, v1  }
0xf6: {  	v6 =	vadd.f32 v8, v6;
	v7 =	vld [tilespmem:s11+$0x2810]  }
0xf7: {  	v8 =	vld [tilespmem:s11+$0x5000];
	v1 =	vadd.f32 v2, v1  }
0xf8: {  	v2 =	vadd.f32 v4, v6;
	v4 =	vld [tilespmem:s11+$0x10]  }
0xf9: {  	v6 =	vld [tilespmem:s11+$0x6400];
	v1 =	vadd.f32 v3, v1  }
0xfa: {  	v2 =	vadd.f32 v5, v2;
	v3 =	vld [tilespmem:s11+$0x1410]  }
0xfb: {  	v5 =	vld [tilespmem:s11+$0x7800];
	[tilespmem:s14+$0xF0] =	vst v1;
	s14 =	smov.u32 s11  }
0xfc: {  	v1 =	vadd.f32 v8, v2;
	v2 =	vld.idx.msk [tilespmem:v0+s14+$0xFFFFFF80 ss:$0x1], $0xffff;
	_ =	sdelay $0x1  }
0xfd: {  	v1 =	vadd.f32 v6, v1;
	v6 =	vld [tilespmem:s14+$0x3C10]  }
0xfe: {  	v3 =	vadd.f32 v3, v4;
	v4 =	vld [tilespmem:s14+$0x2820]  }
0xff: {  	v1 =	vadd.f32 v5, v1;
	v5 =	vld [tilespmem:s14+$0x5010]  }
0x100: {  	v3 =	vadd.f32 v7, v3;
	v7 =	vld [tilespmem:s14+$0x20]  }
0x101: {  	v1 =	vadd.f32 v2, v1;
	v2 =	vld [tilespmem:s14+$0x6410]  }
0x102: {  	v3 =	vadd.f32 v6, v3;
	v6 =	vld [tilespmem:s14+$0x1420]  }
0x103: {  	[tilespmem:s14+$0x0] =	vst v1;
	v1 =	vld [tilespmem:s14+$0x7810]  }
0x104: {  	v3 =	vadd.f32 v5, v3;
	v5 =	vld.idx.msk [tilespmem:v0+s14+$0xFFFFFF90 ss:$0x1], $0xffff;
	_ =	sdelay $0x1  }
0x105: {  	v2 =	vadd.f32 v2, v3;
	v3 =	vld [tilespmem:s14+$0x3C20]  }
0x106: {  	v6 =	vadd.f32 v6, v7;
	v7 =	vld [tilespmem:s14+$0x2830]  }
0x107: {  	v1 =	vadd.f32 v1, v2;
	v2 =	vld [tilespmem:s14+$0x5020]  }
0x108: {  	v4 =	vadd.f32 v4, v6;
	v6 =	vld [tilespmem:s14+$0x30]  }
0x109: {  	v1 =	vadd.f32 v5, v1;
	v5 =	vld [tilespmem:s14+$0x6420]  }
0x10a: {  	v3 =	vadd.f32 v3, v4;
	v4 =	vld [tilespmem:s14+$0x1430]  }
0x10b: {  	[tilespmem:s14+$0x10] =	vst v1;
	v1 =	vld [tilespmem:s14+$0x7820]  }
0x10c: {  	v2 =	vadd.f32 v2, v3;
	v3 =	vld.idx.msk [tilespmem:v0+s14+$0xFFFFFFA0 ss:$0x1], $0xffff;
	_ =	sdelay $0x1  }
0x10d: {  	v2 =	vadd.f32 v5, v2;
	v5 =	vld [tilespmem:s14+$0x3C30]  }
0x10e: {  	v4 =	vadd.f32 v4, v6;
	v6 =	vld [tilespmem:s14+$0x2840]  }
0x10f: {  	v1 =	vadd.f32 v1, v2;
	v2 =	vld [tilespmem:s14+$0x5030]  }
0x110: {  	v4 =	vadd.f32 v7, v4;
	v7 =	vld [tilespmem:s14+$0x40]  }
0x111: {  	v1 =	vadd.f32 v3, v1;
	v3 =	vld [tilespmem:s14+$0x6430]  }
0x112: {  	v4 =	vadd.f32 v5, v4;
	v5 =	vld [tilespmem:s14+$0x1440]  }
0x113: {  	[tilespmem:s14+$0x20] =	vst v1;
	v1 =	vld [tilespmem:s14+$0x7830]  }
0x114: {  	v2 =	vadd.f32 v2, v4;
	v4 =	vld.idx.msk [tilespmem:v0+s14+$0xFFFFFFB0 ss:$0x1], $0xffff;
	_ =	sdelay $0x1  }
0x115: {  	v2 =	vadd.f32 v3, v2;
	v3 =	vld [tilespmem:s14+$0x3C40]  }
0x116: {  	v5 =	vadd.f32 v5, v7;
	v7 =	vld [tilespmem:s14+$0x2850]  }
0x117: {  	v1 =	vadd.f32 v1, v2;
	v2 =	vld [tilespmem:s14+$0x5040]  }
0x118: {  	v5 =	vadd.f32 v6, v5;
	v6 =	vld [tilespmem:s14+$0x50]  }
0x119: {  	v1 =	vadd.f32 v4, v1;
	v4 =	vld [tilespmem:s14+$0x6440]  }
0x11a: {  	v3 =	vadd.f32 v3, v5;
	v5 =	vld [tilespmem:s14+$0x1450]  }
0x11b: {  	[tilespmem:s14+$0x30] =	vst v1;
	v1 =	vld [tilespmem:s14+$0x7840]  }
0x11c: {  	v2 =	vadd.f32 v2, v3;
	v3 =	vld.idx.msk [tilespmem:v0+s14+$0xFFFFFFC0 ss:$0x1], $0xffff;
	_ =	sdelay $0x1  }
0x11d: {  	v2 =	vadd.f32 v4, v2;
	v4 =	vld [tilespmem:s14+$0x3C50]  }
0x11e: {  	v5 =	vadd.f32 v5, v6;
	v6 =	vld [tilespmem:s14+$0x2860]  }
0x11f: {  	v1 =	vadd.f32 v1, v2;
	v2 =	vld [tilespmem:s14+$0x5050]  }
0x120: {  	v5 =	vadd.f32 v7, v5;
	v7 =	vld [tilespmem:s14+$0x60]  }
0x121: {  	v1 =	vadd.f32 v3, v1;
	v3 =	vld [tilespmem:s14+$0x6450]  }
0x122: {  	v4 =	vadd.f32 v4, v5;
	v5 =	vld [tilespmem:s14+$0x1460]  }
0x123: {  	[tilespmem:s14+$0x40] =	vst v1;
	v1 =	vld [tilespmem:s14+$0x7850]  }
0x124: {  	v2 =	vadd.f32 v2, v4;
	v4 =	vld.idx.msk [tilespmem:v0+s14+$0xFFFFFFD0 ss:$0x1], $0xffff;
	_ =	sdelay $0x1  }
0x125: {  	v2 =	vadd.f32 v3, v2;
	v3 =	vld [tilespmem:s14+$0x3C60]  }
0x126: {  	v5 =	vadd.f32 v5, v7;
	v7 =	vld [tilespmem:s14+$0x2870]  }
0x127: {  	v1 =	vadd.f32 v1, v2;
	v2 =	vld [tilespmem:s14+$0x5060]  }
0x128: {  	v5 =	vadd.f32 v6, v5;
	v6 =	vld [tilespmem:s14+$0x70]  }
0x129: {  	v1 =	vadd.f32 v4, v1;
	v4 =	vld [tilespmem:s14+$0x6460]  }
0x12a: {  	v3 =	vadd.f32 v3, v5;
	v5 =	vld [tilespmem:s14+$0x1470]  }
0x12b: {  	[tilespmem:s14+$0x50] =	vst v1;
	v1 =	vld [tilespmem:s14+$0x7860]  }
0x12c: {  	v2 =	vadd.f32 v2, v3;
	v3 =	vld.idx.msk [tilespmem:v0+s14+$0xFFFFFFE0 ss:$0x1], $0xffff;
	_ =	sdelay $0x1  }
0x12d: {  	v2 =	vadd.f32 v4, v2;
	v4 =	vld [tilespmem:s14+$0x3C70]  }
0x12e: {  	v5 =	vadd.f32 v5, v6;
	v6 =	vld [tilespmem:s14+$0x2880]  }
0x12f: {  	v1 =	vadd.f32 v1, v2;
	v2 =	vld [tilespmem:s14+$0x5070]  }
0x130: {  	v5 =	vadd.f32 v7, v5;
	v7 =	vld [tilespmem:s14+$0x80]  }
0x131: {  	v1 =	vadd.f32 v3, v1;
	v3 =	vld [tilespmem:s14+$0x6470]  }
0x132: {  	v4 =	vadd.f32 v4, v5;
	v5 =	vld [tilespmem:s14+$0x1480]  }
0x133: {  	[tilespmem:s14+$0x60] =	vst v1;
	v1 =	vld [tilespmem:s14+$0x7870]  }
0x134: {  	v2 =	vadd.f32 v2, v4;
	v4 =	vld.idx.msk [tilespmem:v0+s14+$0xFFFFFFF0 ss:$0x1], $0xffff;
	_ =	sdelay $0x1  }
0x135: {  	v2 =	vadd.f32 v3, v2;
	v3 =	vld [tilespmem:s14+$0x3C80]  }
0x136: {  	v5 =	vadd.f32 v5, v7;
	v7 =	vld [tilespmem:s14+$0x2890]  }
0x137: {  	v1 =	vadd.f32 v1, v2;
	v2 =	vld [tilespmem:s14+$0x5080]  }
0x138: {  	v5 =	vadd.f32 v6, v5;
	v6 =	vld [tilespmem:s14+$0x90]  }
0x139: {  	v1 =	vadd.f32 v4, v1;
	v4 =	vld [tilespmem:s14+$0x6480]  }
0x13a: {  	v3 =	vadd.f32 v3, v5;
	v5 =	vld [tilespmem:s14+$0x1490]  }
0x13b: {  	[tilespmem:s14+$0x70] =	vst v1;
	v1 =	vld [tilespmem:s14+$0x7880]  }
0x13c: {  	v2 =	vadd.f32 v2, v3;
	v3 =	vld.idx.msk [tilespmem:v0+s14+$0x0 ss:$0x1], $0xffff;
	_ =	sdelay $0x1  }
0x13d: {  	v2 =	vadd.f32 v4, v2;
	v4 =	vld [tilespmem:s14+$0x3C90]  }
0x13e: {  	v5 =	vadd.f32 v5, v6;
	v6 =	vld [tilespmem:s14+$0x28A0]  }
0x13f: {  	v1 =	vadd.f32 v1, v2;
	v2 =	vld [tilespmem:s14+$0x5090]  }
0x140: {  	v5 =	vadd.f32 v7, v5;
	v7 =	vld [tilespmem:s14+$0xA0]  }
0x141: {  	v1 =	vadd.f32 v3, v1;
	v3 =	vld [tilespmem:s14+$0x6490]  }
0x142: {  	v4 =	vadd.f32 v4, v5;
	v5 =	vld [tilespmem:s14+$0x14A0]  }
0x143: {  	[tilespmem:s14+$0x80] =	vst v1;
	v1 =	vld [tilespmem:s14+$0x7890]  }
0x144: {  	v2 =	vadd.f32 v2, v4;
	v4 =	vld.idx.msk [tilespmem:v0+s14+$0x10 ss:$0x1], $0xffff;
	_ =	sdelay $0x1  }
0x145: {  	v2 =	vadd.f32 v3, v2;
	v3 =	vld [tilespmem:s14+$0x3CA0]  }
0x146: {  	v5 =	vadd.f32 v5, v7;
	v7 =	vld [tilespmem:s14+$0x28B0]  }
0x147: {  	v1 =	vadd.f32 v1, v2;
	v2 =	vld [tilespmem:s14+$0x50A0]  }
0x148: {  	v5 =	vadd.f32 v6, v5;
	v6 =	vld [tilespmem:s14+$0xB0]  }
0x149: {  	v1 =	vadd.f32 v4, v1;
	v4 =	vld [tilespmem:s14+$0x64A0]  }
0x14a: {  	v3 =	vadd.f32 v3, v5;
	v5 =	vld [tilespmem:s14+$0x14B0]  }
0x14b: {  	[tilespmem:s14+$0x90] =	vst v1;
	v1 =	vld [tilespmem:s14+$0x78A0]  }
0x14c: {  	v2 =	vadd.f32 v2, v3;
	v3 =	vld.idx.msk [tilespmem:v0+s14+$0x20 ss:$0x1], $0xffff;
	_ =	sdelay $0x1  }
0x14d: {  	v2 =	vadd.f32 v4, v2;
	v4 =	vld [tilespmem:s14+$0x3CB0]  }
0x14e: {  	v5 =	vadd.f32 v5, v6;
	v6 =	vld [tilespmem:s14+$0x28C0]  }
0x14f: {  	v1 =	vadd.f32 v1, v2;
	v2 =	vld [tilespmem:s14+$0x50B0]  }
0x150: {  	v5 =	vadd.f32 v7, v5;
	v7 =	vld [tilespmem:s14+$0xC0]  }
0x151: {  	v1 =	vadd.f32 v3, v1;
	v3 =	vld [tilespmem:s14+$0x64B0]  }
0x152: {  	v4 =	vadd.f32 v4, v5;
	v5 =	vld [tilespmem:s14+$0x14C0]  }
0x153: {  	[tilespmem:s14+$0xA0] =	vst v1;
	v1 =	vld [tilespmem:s14+$0x78B0]  }
0x154: {  	v2 =	vadd.f32 v2, v4;
	v4 =	vld.idx.msk [tilespmem:v0+s14+$0x30 ss:$0x1], $0xffff;
	_ =	sdelay $0x1  }
0x155: {  	v2 =	vadd.f32 v3, v2;
	v3 =	vld [tilespmem:s14+$0x3CC0]  }
0x156: {  	v5 =	vadd.f32 v5, v7;
	v7 =	vld [tilespmem:s14+$0x28D0]  }
0x157: {  	v1 =	vadd.f32 v1, v2;
	v2 =	vld [tilespmem:s14+$0x50C0]  }
0x158: {  	v5 =	vadd.f32 v6, v5;
	v6 =	vld [tilespmem:s14+$0xD0]  }
0x159: {  	v1 =	vadd.f32 v4, v1;
	v4 =	vld [tilespmem:s14+$0x64C0]  }
0x15a: {  	v3 =	vadd.f32 v3, v5;
	v5 =	vld [tilespmem:s14+$0x14D0]  }
0x15b: {  	[tilespmem:s14+$0xB0] =	vst v1;
	v1 =	vld [tilespmem:s14+$0x78C0]  }
0x15c: {  	v2 =	vadd.f32 v2, v3;
	v3 =	vld.idx.msk [tilespmem:v0+s14+$0x40 ss:$0x1], $0xffff;
	_ =	sdelay $0x1  }
0x15d: {  	v2 =	vadd.f32 v4, v2;
	v4 =	vld [tilespmem:s14+$0x3CD0]  }
0x15e: {  	v5 =	vadd.f32 v5, v6;
	v6 =	vld [tilespmem:s14+$0x28E0]  }
0x15f: {  	v1 =	vadd.f32 v1, v2;
	v2 =	vld [tilespmem:s14+$0x50D0]  }
0x160: {  	v5 =	vadd.f32 v7, v5;
	v7 =	vld [tilespmem:s14+$0xE0]  }
0x161: {  	v1 =	vadd.f32 v3, v1;
	v3 =	vld [tilespmem:s14+$0x64D0]  }
0x162: {  	v4 =	vadd.f32 v4, v5;
	v5 =	vld [tilespmem:s14+$0x14E0]  }
0x163: {  	[tilespmem:s14+$0xC0] =	vst v1;
	v8 =	vld [tilespmem:s14+$0x78D0]  }
0x164: {  	v1 =	vadd.f32 v2, v4;
	v2 =	vld.idx.msk [tilespmem:v0+s14+$0x50 ss:$0x1], $0xffff;
	_ =	sdelay $0x1  }
0x165: {  	v3 =	vadd.f32 v3, v1;
	v4 =	vld [tilespmem:s14+$0x3CE0]  }
0x166: {  	v5 =	vadd.f32 v5, v7;
	v1 =	vld [tilespmem:s14+$0x28F0]  }
0x167: {  	v3 =	vadd.f32 v8, v3;
	v7 =	vld [tilespmem:s14+$0x50E0]  }
0x168: {  	v5 =	vadd.f32 v6, v5;
	v6 =	vld [tilespmem:s14+$0x14F0]  }
0x169: {  	v2 =	vadd.f32 v2, v3;
	v8 =	vld [tilespmem:s14+$0x64E0]  }
0x16a: {  	v3 =	vadd.f32 v4, v5;
	v5 =	vld [tilespmem:s14+$0xF0]  }
0x16b: {  	[tilespmem:s14+$0xD0] =	vst v2;
	v9 =	vld [tilespmem:s14+$0x78E0]  }
.Ltmp0:
0x16c: {  	v2 =	vadd.f32 v7, v3;
	v3 =	vld.idx.msk [tilespmem:v0+s14+$0x60 ss:$0x1], $0xffff;
	(pc) =	sbr.rel @p0 .LBB2_4-.Ltmp0, $4  }
0x16d: {  	_ = 	snop  }
0x16e: {  	v8 =	vadd.f32 v8, v2;
	v4 =	vld [tilespmem:s14+$0x3CF0]  }
0x16f: {  	v7 =	vadd.f32 v6, v5;
	v2 =	vld [tilespmem:s14+$0x78F0]  }
0x170: {  	s17 =	sadd.s32 $0x400, s17;
	v6 =	vadd.f32 v9, v8;
	v5 =	vld [tilespmem:s14+$0x50F0]  }
0x171: {  	v1 =	vadd.f32 v1, v7  }
0x172: {  	v63 =	vld [tilespmem:s14+$0x64F0]  }
0x173: {  	v3 =	vadd.f32 v3, v6;
	v1 =	vadd.f32 v4, v1;
	_ =	sdelay $0x1  }
0x174: {  	[tilespmem:s14+$0xE0] =	vst v3;
	v1 =	vadd.f32 v5, v1  }
0x175: {  	v0 =	vld.idx.msk [tilespmem:v0+s14+$0x70 ss:$0x1], $0xffff  }
0x176: {  	v1 =	vadd.f32 v63, v1;
	_ =	sdelay $0x1  }
0x177: {  	v1 =	vadd.f32 v2, v1  }
0x178: {  	s11 =	sadd.s32 s19, s15  }
0x179: {  	s13 =	sadd.s32 $0x1, s13;
	s11 =	smul.u32 $0x280, s11;
	v0 =	vadd.f32 v0, v1  }
0x17a: {  	p0 =	sne.s32 s13, $0x8  }
.Ltmp1:
0x17b: {  	s11 =	sadd.s32 s8, s11;
	[tilespmem:s14+$0xF0] =	vst v0;
	(pc) =	sbr.rel @p0 .LBB2_3-.Ltmp1, $4  }
0x17c: {  	[hbm4b:s11+s9] =	stream.linear.scatter [tilespmem:s9], [sflag:$0x2], $0x1400, $0x38;
	[tilespmem:$0x10C00] =	vst v63  }
0x17d: {  	_ =	swait.ge [sflag:s22], $0x1400  }
0x17e: {  	[sflag:s22] =	ssyncset.done $0x0  }
0x17f: {  	s25 =	sadd.s32 $0x1400, s25;
	s26 =	sadd.s32 $0x28, s26;
	[sflag:s22] =	ssyncadd.s32 $0xFFFFEC00  }
0x180: {  	s28 =	sadd.s32 $0x1, s28  }
0x181: {  	p0 =	sne.s32 s28, $0x14  }
.Ltmp2:
0x182: {  	_ = 	snop;
	(pc) =	sbr.rel @p0 .LBB2_2-.Ltmp2, $3  }
0x183: {  	_ =	sdelay $0x1  }
0x184: {  	s25 =	rddreg [dreg:$0x14]  }
0x185: {  	s10 =	sadd.s32 $0x140, s10;
	s25 =	sadd.s32 $0xA000, s25  }
0x186: {  	s11 =	rddreg [dreg:$0x13]  }
0x187: {  	s10 =	rddreg [dreg:$0x12];
	s11 =	sadd.s32 $0x1, s11  }
0x188: {  	p0 =	sne.s32 s11, s10  }
.Ltmp3:
0x189: {  	_ = 	snop;
	(pc) =	sbr.rel @p0 .LBB2_1-.Ltmp3, $1  }
0x18a: {  	_ =	sdelay $0x3  }
0x18b: {  	_ =	sfence.sel $0x180000  }
0x18c: {  	[bflag:$0x0] =	sbarrier.arrive $0xFFFF  }
0x18d: {  	_ =	strace $0x90000047  }
0x18e: {  	s0 =	stileid.u32;
	[bflag:$0x2] =	sbarrier.arrive $0xFFFF  }
0x18f: {  	p0 =	sne.s32 s0, $0x0;
	s0 =	rddreg [dreg:$0x9]  }
0x190: {  	s0 =	sadd.s32 @!p0 $0x100000, s0  }
0x191: {  	[sflag:s0] =	ssyncadd.tile.s32 @!p0 $0x1;
	_ =	shalt  }
.Lfunc_end2:
_tile_overlayer_lowered:
.L_overlay_start_2:
0x192: {  	(tag) =	ssettag $0x2  }
0x193: {  	s0 =	rddreg [dreg:$0x0];
	s2 =	stileid.u32  }
0x194: {  	s1 =	rddreg [dreg:$0x1];
	p0 =	sne.s32 s2, $0x0  }
0x195: {  	s3 =	rddreg [dreg:$0x2];
	[bflag:$0x3] =	sbarrier.arrive $0xFFFF;
	s2 =	simm.s32 @!p0 $0x1C02  }
0x196: {  	[timem:s3], [sflag:s2] =	dma.local @!p0 [hbm:s0], s1  }
0x197: {  	s0 =	simm.s32 @!p0 $0x2  }
0x198: {  	_ =	swait.ge @!p0 [sflag:s0], s1  }
0x199: {  	s1 =	ssub.s32 @!p0 $0x0, s1;
	[sflag:s0] =	ssyncset.done @!p0 $0x0  }
0x19a: {  	[sflag:s0] =	ssyncadd.s32 @!p0 s1  }
0x19b: {  	[bflag:$0x3] =	sbarrier.arrive $0xFFFF  }
0x19c: {  	_ =	shalt  }

</sc_bundles>
